<compile_context>
chip_gen: v7x
topology: tpu7x:2x2x1
jax: 0.10.2.dev20260603
libtpu: 0.0.44.dev20260713+nightly
codegen_flags: <defaults>
</compile_context>

<pallas_src>
import functools

import jax
import jax.numpy as jnp
from jax import lax
from jax.experimental import pallas as pl
from jax.experimental.pallas import tpu as pltpu
from jax.experimental.pallas import tpu_sc as plsc

N = 10000
E = 160000
D = 256
DH = 128
NC = 2
NS = 16
K = 128
CH = 80
SEG = 16
EP = NS * CH * K
RPS = 632
NPAD = NS * RPS

_mesh = plsc.VectorSubcoreMesh(core_axis_name="c", subcore_axis_name="s")


@functools.partial(
    pl.kernel,
    mesh=_mesh,
    compiler_params=pltpu.CompilerParams(use_tc_tiling_on_sc=False),
    out_type=[
        jax.ShapeDtypeStruct((NC, NPAD, DH), jnp.float32),
        jax.ShapeDtypeStruct((NPAD, 16), jnp.float32),
    ],
    scratch_types=[
        pltpu.VMEM((SEG, K), jnp.int32),
        pltpu.VMEM((SEG, K), jnp.int32),
        pltpu.VMEM((K, DH), jnp.float32),
        pltpu.VMEM((K, DH), jnp.float32),
        pltpu.VMEM((K, 16), jnp.float32),
        pltpu.VMEM_SHARED((NPAD, DH), jnp.float32),
        pltpu.VMEM_SHARED((NPAD, 16), jnp.float32),
        pltpu.SemaphoreType.DMA,
        pltpu.SemaphoreType.DMA,
        pltpu.SemaphoreType.DMA,
        pltpu.SemaphoreType.DMA,
        pltpu.SemaphoreType.DMA,
        pltpu.SemaphoreType.DMA,
    ],
)
def _sc_aggregate(xcat, rowp, colp, zacc, zcnt, ones, out, cntout,
                  rbuf, cbuf, gbuf0, gbuf1, obuf, acc, cnt,
                  gsem0, gsem1, asem0, asem1, csem0, csem1):
    c = lax.axis_index("c")
    s = lax.axis_index("s")
    base = s * RPS
    ebase = (c * NS + s) * CH
    cbase = s * CH

    pltpu.sync_copy(zacc, acc.at[pl.ds(base, RPS)])
    pltpu.sync_copy(zcnt, cnt.at[pl.ds(base, RPS)])
    pltpu.sync_copy(ones, obuf)
    plsc.subcore_barrier()

    def fire_gather(j, gb, sem):
        pltpu.async_copy(xcat.at[rbuf.at[j]], gb, sem)

    def wait_gather(gb, sem):
        pltpu.make_async_copy(xcat.at[rbuf.at[0]], gb, sem).wait()

    def fire_scatter(j, gb, asem, csem):
        pltpu.async_copy(gb, acc.at[cbuf.at[j]], asem, add=True)
        pltpu.async_copy(obuf, cnt.at[cbuf.at[j]], csem, add=True)

    def wait_scatter(gb, asem, csem):
        pltpu.make_async_copy(gb, acc.at[cbuf.at[0]], asem).wait()
        pltpu.make_async_copy(obuf, cnt.at[cbuf.at[0]], csem).wait()

    @pl.loop(0, CH, step=SEG)
    def _(g0):
        pltpu.sync_copy(rowp.at[pl.ds(ebase + g0, SEG)], rbuf)
        pltpu.sync_copy(colp.at[pl.ds(cbase + g0, SEG)], cbuf)
        fire_gather(0, gbuf0, gsem0)
        fire_gather(1, gbuf1, gsem1)

        @pl.loop(0, SEG, step=2)
        def _(j):
            wait_gather(gbuf0, gsem0)
            fire_scatter(j, gbuf0, asem0, csem0)
            wait_gather(gbuf1, gsem1)
            fire_scatter(j + 1, gbuf1, asem1, csem1)
            wait_scatter(gbuf0, asem0, csem0)

            @pl.when(j + 2 < SEG)
            def _():
                fire_gather(j + 2, gbuf0, gsem0)

            wait_scatter(gbuf1, asem1, csem1)

            @pl.when(j + 3 < SEG)
            def _():
                fire_gather(j + 3, gbuf1, gsem1)

    plsc.subcore_barrier()

    pltpu.sync_copy(acc.at[pl.ds(base, RPS)], out.at[c, pl.ds(base, RPS)])

    @pl.when(c == 0)
    def _():
        pltpu.sync_copy(cnt.at[pl.ds(base, RPS)], cntout.at[pl.ds(base, RPS)])


def _tc_body(sum_ref, x_ref, c_ref, wl_ref, wr_ref, b_ref, o_ref):
    rec = 1.0 / jnp.maximum(c_ref[...][:, 0:1], 1.0)
    outl = jnp.dot(sum_ref[...], wl_ref[...],
                   preferred_element_type=jnp.float32,
                   precision=lax.Precision.HIGHEST)
    outr = jnp.dot(x_ref[...], wr_ref[...],
                   preferred_element_type=jnp.float32,
                   precision=lax.Precision.HIGHEST)
    o_ref[...] = outl * rec + outr + b_ref[...]


def _tc_linear(summed, x, cnt, wlT, wrT, bias):
    blk = 1000
    return pl.pallas_call(
        _tc_body,
        grid=(N // blk,),
        in_specs=[
            pl.BlockSpec((blk, D), lambda i: (i, 0)),
            pl.BlockSpec((blk, D), lambda i: (i, 0)),
            pl.BlockSpec((blk, 16), lambda i: (i, 0)),
            pl.BlockSpec((D, D), lambda i: (0, 0)),
            pl.BlockSpec((D, D), lambda i: (0, 0)),
            pl.BlockSpec((1, D), lambda i: (0, 0)),
        ],
        out_specs=pl.BlockSpec((blk, D), lambda i: (i, 0)),
        out_shape=jax.ShapeDtypeStruct((N, D), jnp.float32),
    )(summed, x, cnt, wlT, wrT, bias)


@jax.jit
def kernel(x, edge_index, W_l, b_l, W_r, b_r):
    row = edge_index[0].astype(jnp.int32)
    col = edge_index[1].astype(jnp.int32)

    xcat = jnp.concatenate([x[:, :DH], x[:, DH:]], axis=0)

    pad = EP - E
    rowp = jnp.pad(row, (0, pad))
    colp = jnp.pad(col, (0, pad), constant_values=N)
    rowp2 = jnp.stack([rowp, rowp + N]).reshape(NC * NS * CH, K)
    colp2 = colp.reshape(NS * CH, K)

    zacc = jnp.zeros((RPS, DH), jnp.float32)
    zcnt = jnp.zeros((RPS, 16), jnp.float32)
    ones = jnp.ones((K, 16), jnp.float32)

    summ2, cnt = _sc_aggregate(xcat, rowp2, colp2, zacc, zcnt, ones)
    summed = jnp.concatenate([summ2[0, :N], summ2[1, :N]], axis=1)

    return _tc_linear(summed, x, cnt[:N], W_l.T, W_r.T,
                      (b_l + b_r).reshape(1, D))

# --- scband reference (transcript-rebuilt; emitter-appended) ---
"""Pipeline reference for scband-sageconv-5325759447571 (READ-ONLY COPY).

The authoritative reference and input builder live on the scoring server;
editing this copy changes nothing except your own understanding.
"""

import jax, jax.numpy as jnp
import numpy as np

N_NODES = 10000
N_EDGES = 160000
D_IN = 256
D_OUT = 256

def setup_inputs(seed: int = 0) -> dict:
    key = jax.random.key(seed)
    k1, k2, k3, k4, k5, k6 = jax.random.split(key, 6)
    x = jax.random.normal(k1, (N_NODES, D_IN), dtype=jnp.float32)
    edge_index = jax.random.randint(k2, (2, N_EDGES), 0, N_NODES, dtype=jnp.int64)
    # Linear layer params (PyTorch nn.Linear default init: U(-1/sqrt(fan_in), 1/sqrt(fan_in)))
    bound = 1.0 / np.sqrt(D_IN)
    W_l = jax.random.uniform(k3, (D_OUT, D_IN), minval=-bound, maxval=bound, dtype=jnp.float32)
    b_l = jax.random.uniform(k4, (D_OUT,), minval=-bound, maxval=bound, dtype=jnp.float32)
    W_r = jax.random.uniform(k5, (D_OUT, D_IN), minval=-bound, maxval=bound, dtype=jnp.float32)
    b_r = jax.random.uniform(k6, (D_OUT,), minval=-bound, maxval=bound, dtype=jnp.float32)
    return {"x": x, "edge_index": edge_index, "W_l": W_l, "b_l": b_l, "W_r": W_r, "b_r": b_r}

def reference(x, edge_index, W_l, b_l, W_r, b_r):
    row = edge_index[0]
    col = edge_index[1]
    # gather source-node features
    x_j = jnp.take(x, row, axis=0)
    # scatter-mean into destination nodes
    summed = jax.ops.segment_sum(x_j, col, num_segments=N_NODES)
    counts = jnp.bincount(col, length=N_NODES).astype(x.dtype)
    denom = jnp.maximum(counts, 1.0)
    agg = summed / denom[:, None]
    # lin_l(agg) + lin_r(x)
    out_l = agg @ W_l.T + b_l
    out_r = x @ W_r.T + b_r
    out = out_l + out_r
    return out

if __name__ == "__main__":
    import jax
    _d = setup_inputs()
    print(jax.jit(kernel)(*tuple(_d.values())))

</pallas_src>

<mosaic_0001>
#map = affine_map<(d0, d1) -> (0, 0)>
#map1 = affine_map<(d0, d1) -> (0, 0, 0)>
module attributes {stable_mosaic.version = 14 : i64} {
  func.func @_sc_aggregate(%arg0: i32, %arg1: i32, %arg2: memref<20000x128xf32, #tpu.memory_space<hbm>>, %arg3: memref<2560x128xi32, #tpu.memory_space<hbm>>, %arg4: memref<1280x128xi32, #tpu.memory_space<hbm>>, %arg5: memref<632x128xf32, #tpu.memory_space<hbm>>, %arg6: memref<632x16xf32, #tpu.memory_space<hbm>>, %arg7: memref<128x16xf32, #tpu.memory_space<hbm>>, %arg8: memref<2x10112x128xf32, #tpu.memory_space<hbm>>, %arg9: memref<10112x16xf32, #tpu.memory_space<hbm>>, %arg10: memref<16x128xi32, #tpu.memory_space<vmem>>, %arg11: memref<16x128xi32, #tpu.memory_space<vmem>>, %arg12: memref<128x128xf32, #tpu.memory_space<vmem>>, %arg13: memref<128x128xf32, #tpu.memory_space<vmem>>, %arg14: memref<128x16xf32, #tpu.memory_space<vmem>>, %arg15: memref<10112x128xf32, #tpu.memory_space<vmem_shared>>, %arg16: memref<10112x16xf32, #tpu.memory_space<vmem_shared>>, %arg17: memref<!tpu.dma_semaphore, #tpu.memory_space<semaphore_mem>>, %arg18: memref<!tpu.dma_semaphore, #tpu.memory_space<semaphore_mem>>, %arg19: memref<!tpu.dma_semaphore, #tpu.memory_space<semaphore_mem>>, %arg20: memref<!tpu.dma_semaphore, #tpu.memory_space<semaphore_mem>>, %arg21: memref<!tpu.dma_semaphore, #tpu.memory_space<semaphore_mem>>, %arg22: memref<!tpu.dma_semaphore, #tpu.memory_space<semaphore_mem>>) attributes {dimension_semantics = [#tpu.dimension_semantics<core_parallel>, #tpu.dimension_semantics<subcore_parallel>], iteration_bounds = array<i64: 2, 16>, scalar_prefetch = 0 : i64, scratch_operands = 13 : i64, tpu.core_type = #tpu.core_type<sc_vector_subcore>, window_params = [{transform_indices = #map}, {transform_indices = #map}, {transform_indices = #map}, {transform_indices = #map}, {transform_indices = #map}, {transform_indices = #map}, {transform_indices = #map1}, {transform_indices = #map}]} {
    %mul3A = arith.constant 632 : i32
    %mul3A_0 = arith.muli %arg1, %mul3A : i32
    %mul3A_1 = arith.constant 16 : i32
    %mul3A_2 = arith.muli %arg0, %mul3A_1 : i32
    %add3A = arith.addi %mul3A_2, %arg1 : i32
    %mul3A_3 = arith.constant 80 : i32
    %mul3A_4 = arith.muli %add3A, %mul3A_3 : i32
    %mul3A_5 = arith.constant 80 : i32
    %mul3A_6 = arith.muli %arg1, %mul3A_5 : i32
    "tpu.region"() ({
      %run_scoped3A = tpu.sem_alloc : memref<!tpu.dma_semaphore, #tpu.memory_space<semaphore_mem>>
      %dma_start3A = arith.constant 0 : i32
      %dma_start3A_14 = tpu.memref_slice %arg15[%mul3A_0, %dma_start3A] : memref<10112x128xf32, #tpu.memory_space<vmem_shared>> -> memref<632x128xf32, #tpu.memory_space<vmem_shared>>
      tpu.enqueue_dma source(%arg5 : memref<632x128xf32, #tpu.memory_space<hbm>>) target(%dma_start3A_14 : memref<632x128xf32, #tpu.memory_space<vmem_shared>>) target_semaphore(%run_scoped3A : memref<!tpu.dma_semaphore, #tpu.memory_space<semaphore_mem>>)
      %dma_wait3A = arith.constant 0 : i32
      %dma_wait3A_15 = tpu.memref_slice %arg15[%mul3A_0, %dma_wait3A] : memref<10112x128xf32, #tpu.memory_space<vmem_shared>> -> memref<632x128xf32, #tpu.memory_space<vmem_shared>>
      tpu.wait_dma2 semaphore(%run_scoped3A : memref<!tpu.dma_semaphore, #tpu.memory_space<semaphore_mem>>) src(%arg5 : memref<632x128xf32, #tpu.memory_space<hbm>>) dst(%dma_wait3A_15 : memref<632x128xf32, #tpu.memory_space<vmem_shared>>)
      tpu.yield
    }) : () -> ()
    "tpu.region"() ({
      %run_scoped3A = tpu.sem_alloc : memref<!tpu.dma_semaphore, #tpu.memory_space<semaphore_mem>>
      %dma_start3A = arith.constant 0 : i32
      %dma_start3A_14 = tpu.memref_slice %arg16[%mul3A_0, %dma_start3A] : memref<10112x16xf32, #tpu.memory_space<vmem_shared>> -> memref<632x16xf32, #tpu.memory_space<vmem_shared>>
      tpu.enqueue_dma source(%arg6 : memref<632x16xf32, #tpu.memory_space<hbm>>) target(%dma_start3A_14 : memref<632x16xf32, #tpu.memory_space<vmem_shared>>) target_semaphore(%run_scoped3A : memref<!tpu.dma_semaphore, #tpu.memory_space<semaphore_mem>>)
      %dma_wait3A = arith.constant 0 : i32
      %dma_wait3A_15 = tpu.memref_slice %arg16[%mul3A_0, %dma_wait3A] : memref<10112x16xf32, #tpu.memory_space<vmem_shared>> -> memref<632x16xf32, #tpu.memory_space<vmem_shared>>
      tpu.wait_dma2 semaphore(%run_scoped3A : memref<!tpu.dma_semaphore, #tpu.memory_space<semaphore_mem>>) src(%arg6 : memref<632x16xf32, #tpu.memory_space<hbm>>) dst(%dma_wait3A_15 : memref<632x16xf32, #tpu.memory_space<vmem_shared>>)
      tpu.yield
    }) : () -> ()
    "tpu.region"() ({
      %run_scoped3A = tpu.sem_alloc : memref<!tpu.dma_semaphore, #tpu.memory_space<semaphore_mem>>
      tpu.enqueue_dma source(%arg7 : memref<128x16xf32, #tpu.memory_space<hbm>>) target(%arg14 : memref<128x16xf32, #tpu.memory_space<vmem>>) target_semaphore(%run_scoped3A : memref<!tpu.dma_semaphore, #tpu.memory_space<semaphore_mem>>)
      tpu.wait_dma2 semaphore(%run_scoped3A : memref<!tpu.dma_semaphore, #tpu.memory_space<semaphore_mem>>) src(%arg7 : memref<128x16xf32, #tpu.memory_space<hbm>>) dst(%arg14 : memref<128x16xf32, #tpu.memory_space<vmem>>)
      tpu.yield
    }) : () -> ()
    %barrier3A = arith.constant 0 : index
    tpu.barrier barrier_id(%barrier3A)
    %scan3A = arith.constant 0 : i32
    %scan3A_7 = arith.constant 5 : i32
    %scan3A_8 = arith.addi %scan3A, %scan3A_7 : i32
    %scan3A_9 = arith.constant 1 : i32
    scf.for %scan3A_14 = %scan3A to %scan3A_8 step %scan3A_9  : i32 {
      %mul3A_15 = arith.constant 16 : i32
      %mul3A_16 = arith.muli %scan3A_14, %mul3A_15 : i32
      %add3A_17 = arith.constant 0 : i32
      %add3A_18 = arith.addi %add3A_17, %mul3A_16 : i32
      %add3A_19 = arith.addi %mul3A_4, %add3A_18 : i32
      "tpu.region"() ({
        %run_scoped3A = tpu.sem_alloc : memref<!tpu.dma_semaphore, #tpu.memory_space<semaphore_mem>>
        %dma_start3A_39 = arith.constant 0 : i32
        %dma_start3A_40 = tpu.memref_slice %arg3[%add3A_19, %dma_start3A_39] : memref<2560x128xi32, #tpu.memory_space<hbm>> -> memref<16x128xi32, #tpu.memory_space<hbm>>
        %dma_start3A_41 = arith.constant 0 : i32
        %dma_start3A_42 = tpu.memref_slice %arg3[%add3A_19, %dma_start3A_41] : memref<2560x128xi32, #tpu.memory_space<hbm>> -> memref<16x128xi32, #tpu.memory_space<hbm>>
        tpu.enqueue_dma source(%dma_start3A_42 : memref<16x128xi32, #tpu.memory_space<hbm>>) target(%arg10 : memref<16x128xi32, #tpu.memory_space<vmem>>) target_semaphore(%run_scoped3A : memref<!tpu.dma_semaphore, #tpu.memory_space<semaphore_mem>>)
        %dma_wait3A = arith.constant 0 : i32
        %dma_wait3A_43 = tpu.memref_slice %arg3[%add3A_19, %dma_wait3A] : memref<2560x128xi32, #tpu.memory_space<hbm>> -> memref<16x128xi32, #tpu.memory_space<hbm>>
        %dma_wait3A_44 = arith.constant 0 : i32
        %dma_wait3A_45 = tpu.memref_slice %arg3[%add3A_19, %dma_wait3A_44] : memref<2560x128xi32, #tpu.memory_space<hbm>> -> memref<16x128xi32, #tpu.memory_space<hbm>>
        tpu.wait_dma2 semaphore(%run_scoped3A : memref<!tpu.dma_semaphore, #tpu.memory_space<semaphore_mem>>) src(%dma_wait3A_45 : memref<16x128xi32, #tpu.memory_space<hbm>>) dst(%arg10 : memref<16x128xi32, #tpu.memory_space<vmem>>)
        tpu.yield
      }) : () -> ()
      %add3A_20 = arith.addi %mul3A_6, %add3A_18 : i32
      "tpu.region"() ({
        %run_scoped3A = tpu.sem_alloc : memref<!tpu.dma_semaphore, #tpu.memory_space<semaphore_mem>>
        %dma_start3A_39 = arith.constant 0 : i32
        %dma_start3A_40 = tpu.memref_slice %arg4[%add3A_20, %dma_start3A_39] : memref<1280x128xi32, #tpu.memory_space<hbm>> -> memref<16x128xi32, #tpu.memory_space<hbm>>
        %dma_start3A_41 = arith.constant 0 : i32
        %dma_start3A_42 = tpu.memref_slice %arg4[%add3A_20, %dma_start3A_41] : memref<1280x128xi32, #tpu.memory_space<hbm>> -> memref<16x128xi32, #tpu.memory_space<hbm>>
        tpu.enqueue_dma source(%dma_start3A_42 : memref<16x128xi32, #tpu.memory_space<hbm>>) target(%arg11 : memref<16x128xi32, #tpu.memory_space<vmem>>) target_semaphore(%run_scoped3A : memref<!tpu.dma_semaphore, #tpu.memory_space<semaphore_mem>>)
        %dma_wait3A = arith.constant 0 : i32
        %dma_wait3A_43 = tpu.memref_slice %arg4[%add3A_20, %dma_wait3A] : memref<1280x128xi32, #tpu.memory_space<hbm>> -> memref<16x128xi32, #tpu.memory_space<hbm>>
        %dma_wait3A_44 = arith.constant 0 : i32
        %dma_wait3A_45 = tpu.memref_slice %arg4[%add3A_20, %dma_wait3A_44] : memref<1280x128xi32, #tpu.memory_space<hbm>> -> memref<16x128xi32, #tpu.memory_space<hbm>>
        tpu.wait_dma2 semaphore(%run_scoped3A : memref<!tpu.dma_semaphore, #tpu.memory_space<semaphore_mem>>) src(%dma_wait3A_45 : memref<16x128xi32, #tpu.memory_space<hbm>>) dst(%arg11 : memref<16x128xi32, #tpu.memory_space<vmem>>)
        tpu.yield
      }) : () -> ()
      %dma_start3A = arith.constant 0 : i32
      %dma_start3A_21 = arith.constant 0 : i32
      %dma_start3A_22 = tpu.memref_slice %arg10[%dma_start3A, %dma_start3A_21] : memref<16x128xi32, #tpu.memory_space<vmem>> -> memref<1x128xi32, #tpu.memory_space<vmem>>
      %dma_start3A_23 = tpu.memref_squeeze %dma_start3A_22 : memref<1x128xi32, #tpu.memory_space<vmem>> -> memref<128xi32, #tpu.memory_space<vmem>>
      %dma_start3A_24 = arith.constant 0 : i32
      %dma_start3A_25 = arith.constant 0 : i32
      %dma_start3A_26 = tpu.memref_slice %arg2[%dma_start3A_24, %dma_start3A_25] : memref<20000x128xf32, #tpu.memory_space<hbm>> -> memref<20000x128xf32, #tpu.memory_space<hbm>>
      tpu.enqueue_indirect_dma source(%dma_start3A_26 : memref<20000x128xf32, #tpu.memory_space<hbm>>) target(%arg12 : memref<128x128xf32, #tpu.memory_space<vmem>>) offsets(%dma_start3A_23 : memref<128xi32, #tpu.memory_space<vmem>>) semaphore(%arg17 : memref<!tpu.dma_semaphore, #tpu.memory_space<semaphore_mem>>)
      %dma_start3A_27 = arith.constant 1 : i32
      %dma_start3A_28 = arith.constant 0 : i32
      %dma_start3A_29 = tpu.memref_slice %arg10[%dma_start3A_27, %dma_start3A_28] : memref<16x128xi32, #tpu.memory_space<vmem>> -> memref<1x128xi32, #tpu.memory_space<vmem>>
      %dma_start3A_30 = tpu.memref_squeeze %dma_start3A_29 : memref<1x128xi32, #tpu.memory_space<vmem>> -> memref<128xi32, #tpu.memory_space<vmem>>
      %dma_start3A_31 = arith.constant 0 : i32
      %dma_start3A_32 = arith.constant 0 : i32
      %dma_start3A_33 = tpu.memref_slice %arg2[%dma_start3A_31, %dma_start3A_32] : memref<20000x128xf32, #tpu.memory_space<hbm>> -> memref<20000x128xf32, #tpu.memory_space<hbm>>
      tpu.enqueue_indirect_dma source(%dma_start3A_33 : memref<20000x128xf32, #tpu.memory_space<hbm>>) target(%arg13 : memref<128x128xf32, #tpu.memory_space<vmem>>) offsets(%dma_start3A_30 : memref<128xi32, #tpu.memory_space<vmem>>) semaphore(%arg18 : memref<!tpu.dma_semaphore, #tpu.memory_space<semaphore_mem>>)
      %scan3A_34 = arith.constant 0 : i32
      %scan3A_35 = arith.constant 8 : i32
      %scan3A_36 = arith.addi %scan3A_34, %scan3A_35 : i32
      %scan3A_37 = arith.constant 1 : i32
      scf.for %scan3A_39 = %scan3A_34 to %scan3A_36 step %scan3A_37  : i32 {
        %mul3A_40 = arith.constant 2 : i32
        %mul3A_41 = arith.muli %scan3A_39, %mul3A_40 : i32
        %add3A_42 = arith.constant 0 : i32
        %add3A_43 = arith.addi %add3A_42, %mul3A_41 : i32
        %dma_wait3A = arith.constant 0 : i32
        %dma_wait3A_44 = arith.constant 0 : i32
        %dma_wait3A_45 = tpu.memref_slice %arg10[%dma_wait3A, %dma_wait3A_44] : memref<16x128xi32, #tpu.memory_space<vmem>> -> memref<1x128xi32, #tpu.memory_space<vmem>>
        %dma_wait3A_46 = tpu.memref_squeeze %dma_wait3A_45 : memref<1x128xi32, #tpu.memory_space<vmem>> -> memref<128xi32, #tpu.memory_space<vmem>>
        %dma_wait3A_47 = arith.constant 0 : i32
        %dma_wait3A_48 = arith.constant 0 : i32
        %dma_wait3A_49 = tpu.memref_slice %arg2[%dma_wait3A_47, %dma_wait3A_48] : memref<20000x128xf32, #tpu.memory_space<hbm>> -> memref<20000x128xf32, #tpu.memory_space<hbm>>
        tpu.wait_indirect_dma semaphore(%arg17 : memref<!tpu.dma_semaphore, #tpu.memory_space<semaphore_mem>>) src(%dma_wait3A_49 : memref<20000x128xf32, #tpu.memory_space<hbm>>) dst(%arg12 : memref<128x128xf32, #tpu.memory_space<vmem>>)
        %dma_start3A_50 = arith.constant 0 : i32
        %dma_start3A_51 = tpu.memref_slice %arg11[%add3A_43, %dma_start3A_50] : memref<16x128xi32, #tpu.memory_space<vmem>> -> memref<1x128xi32, #tpu.memory_space<vmem>>
        %dma_start3A_52 = tpu.memref_squeeze %dma_start3A_51 : memref<1x128xi32, #tpu.memory_space<vmem>> -> memref<128xi32, #tpu.memory_space<vmem>>
        %dma_start3A_53 = arith.constant 0 : i32
        %dma_start3A_54 = arith.constant 0 : i32
        %dma_start3A_55 = tpu.memref_slice %arg15[%dma_start3A_53, %dma_start3A_54] : memref<10112x128xf32, #tpu.memory_space<vmem_shared>> -> memref<10112x128xf32, #tpu.memory_space<vmem_shared>>
        tpu.enqueue_indirect_dma source(%arg12 : memref<128x128xf32, #tpu.memory_space<vmem>>) target(%dma_start3A_55 : memref<10112x128xf32, #tpu.memory_space<vmem_shared>>) offsets(%dma_start3A_52 : memref<128xi32, #tpu.memory_space<vmem>>) semaphore(%arg19 : memref<!tpu.dma_semaphore, #tpu.memory_space<semaphore_mem>>) {add = true}
        %dma_start3A_56 = arith.constant 0 : i32
        %dma_start3A_57 = tpu.memref_slice %arg11[%add3A_43, %dma_start3A_56] : memref<16x128xi32, #tpu.memory_space<vmem>> -> memref<1x128xi32, #tpu.memory_space<vmem>>
        %dma_start3A_58 = tpu.memref_squeeze %dma_start3A_57 : memref<1x128xi32, #tpu.memory_space<vmem>> -> memref<128xi32, #tpu.memory_space<vmem>>
        %dma_start3A_59 = arith.constant 0 : i32
        %dma_start3A_60 = arith.constant 0 : i32
        %dma_start3A_61 = tpu.memref_slice %arg16[%dma_start3A_59, %dma_start3A_60] : memref<10112x16xf32, #tpu.memory_space<vmem_shared>> -> memref<10112x16xf32, #tpu.memory_space<vmem_shared>>
        tpu.enqueue_indirect_dma source(%arg14 : memref<128x16xf32, #tpu.memory_space<vmem>>) target(%dma_start3A_61 : memref<10112x16xf32, #tpu.memory_space<vmem_shared>>) offsets(%dma_start3A_58 : memref<128xi32, #tpu.memory_space<vmem>>) semaphore(%arg21 : memref<!tpu.dma_semaphore, #tpu.memory_space<semaphore_mem>>) {add = true}
        %dma_wait3A_62 = arith.constant 0 : i32
        %dma_wait3A_63 = arith.constant 0 : i32
        %dma_wait3A_64 = tpu.memref_slice %arg10[%dma_wait3A_62, %dma_wait3A_63] : memref<16x128xi32, #tpu.memory_space<vmem>> -> memref<1x128xi32, #tpu.memory_space<vmem>>
        %dma_wait3A_65 = tpu.memref_squeeze %dma_wait3A_64 : memref<1x128xi32, #tpu.memory_space<vmem>> -> memref<128xi32, #tpu.memory_space<vmem>>
        %dma_wait3A_66 = arith.constant 0 : i32
        %dma_wait3A_67 = arith.constant 0 : i32
        %dma_wait3A_68 = tpu.memref_slice %arg2[%dma_wait3A_66, %dma_wait3A_67] : memref<20000x128xf32, #tpu.memory_space<hbm>> -> memref<20000x128xf32, #tpu.memory_space<hbm>>
        tpu.wait_indirect_dma semaphore(%arg18 : memref<!tpu.dma_semaphore, #tpu.memory_space<semaphore_mem>>) src(%dma_wait3A_68 : memref<20000x128xf32, #tpu.memory_space<hbm>>) dst(%arg13 : memref<128x128xf32, #tpu.memory_space<vmem>>)
        %add3A_69 = arith.constant 1 : i32
        %add3A_70 = arith.addi %add3A_43, %add3A_69 : i32
        %dma_start3A_71 = arith.constant 0 : i32
        %dma_start3A_72 = tpu.memref_slice %arg11[%add3A_70, %dma_start3A_71] : memref<16x128xi32, #tpu.memory_space<vmem>> -> memref<1x128xi32, #tpu.memory_space<vmem>>
        %dma_start3A_73 = tpu.memref_squeeze %dma_start3A_72 : memref<1x128xi32, #tpu.memory_space<vmem>> -> memref<128xi32, #tpu.memory_space<vmem>>
        %dma_start3A_74 = arith.constant 0 : i32
        %dma_start3A_75 = arith.constant 0 : i32
        %dma_start3A_76 = tpu.memref_slice %arg15[%dma_start3A_74, %dma_start3A_75] : memref<10112x128xf32, #tpu.memory_space<vmem_shared>> -> memref<10112x128xf32, #tpu.memory_space<vmem_shared>>
        tpu.enqueue_indirect_dma source(%arg13 : memref<128x128xf32, #tpu.memory_space<vmem>>) target(%dma_start3A_76 : memref<10112x128xf32, #tpu.memory_space<vmem_shared>>) offsets(%dma_start3A_73 : memref<128xi32, #tpu.memory_space<vmem>>) semaphore(%arg20 : memref<!tpu.dma_semaphore, #tpu.memory_space<semaphore_mem>>) {add = true}
        %dma_start3A_77 = arith.constant 0 : i32
        %dma_start3A_78 = tpu.memref_slice %arg11[%add3A_70, %dma_start3A_77] : memref<16x128xi32, #tpu.memory_space<vmem>> -> memref<1x128xi32, #tpu.memory_space<vmem>>
        %dma_start3A_79 = tpu.memref_squeeze %dma_start3A_78 : memref<1x128xi32, #tpu.memory_space<vmem>> -> memref<128xi32, #tpu.memory_space<vmem>>
        %dma_start3A_80 = arith.constant 0 : i32
        %dma_start3A_81 = arith.constant 0 : i32
        %dma_start3A_82 = tpu.memref_slice %arg16[%dma_start3A_80, %dma_start3A_81] : memref<10112x16xf32, #tpu.memory_space<vmem_shared>> -> memref<10112x16xf32, #tpu.memory_space<vmem_shared>>
        tpu.enqueue_indirect_dma source(%arg14 : memref<128x16xf32, #tpu.memory_space<vmem>>) target(%dma_start3A_82 : memref<10112x16xf32, #tpu.memory_space<vmem_shared>>) offsets(%dma_start3A_79 : memref<128xi32, #tpu.memory_space<vmem>>) semaphore(%arg22 : memref<!tpu.dma_semaphore, #tpu.memory_space<semaphore_mem>>) {add = true}
        %dma_wait3A_83 = arith.constant 0 : i32
        %dma_wait3A_84 = arith.constant 0 : i32
        %dma_wait3A_85 = tpu.memref_slice %arg11[%dma_wait3A_83, %dma_wait3A_84] : memref<16x128xi32, #tpu.memory_space<vmem>> -> memref<1x128xi32, #tpu.memory_space<vmem>>
        %dma_wait3A_86 = tpu.memref_squeeze %dma_wait3A_85 : memref<1x128xi32, #tpu.memory_space<vmem>> -> memref<128xi32, #tpu.memory_space<vmem>>
        %dma_wait3A_87 = arith.constant 0 : i32
        %dma_wait3A_88 = arith.constant 0 : i32
        %dma_wait3A_89 = tpu.memref_slice %arg15[%dma_wait3A_87, %dma_wait3A_88] : memref<10112x128xf32, #tpu.memory_space<vmem_shared>> -> memref<10112x128xf32, #tpu.memory_space<vmem_shared>>
        tpu.wait_indirect_dma semaphore(%arg19 : memref<!tpu.dma_semaphore, #tpu.memory_space<semaphore_mem>>) src(%arg12 : memref<128x128xf32, #tpu.memory_space<vmem>>) dst(%dma_wait3A_89 : memref<10112x128xf32, #tpu.memory_space<vmem_shared>>)
        %dma_wait3A_90 = arith.constant 0 : i32
        %dma_wait3A_91 = arith.constant 0 : i32
        %dma_wait3A_92 = tpu.memref_slice %arg11[%dma_wait3A_90, %dma_wait3A_91] : memref<16x128xi32, #tpu.memory_space<vmem>> -> memref<1x128xi32, #tpu.memory_space<vmem>>
        %dma_wait3A_93 = tpu.memref_squeeze %dma_wait3A_92 : memref<1x128xi32, #tpu.memory_space<vmem>> -> memref<128xi32, #tpu.memory_space<vmem>>
        %dma_wait3A_94 = arith.constant 0 : i32
        %dma_wait3A_95 = arith.constant 0 : i32
        %dma_wait3A_96 = tpu.memref_slice %arg16[%dma_wait3A_94, %dma_wait3A_95] : memref<10112x16xf32, #tpu.memory_space<vmem_shared>> -> memref<10112x16xf32, #tpu.memory_space<vmem_shared>>
        tpu.wait_indirect_dma semaphore(%arg21 : memref<!tpu.dma_semaphore, #tpu.memory_space<semaphore_mem>>) src(%arg14 : memref<128x16xf32, #tpu.memory_space<vmem>>) dst(%dma_wait3A_96 : memref<10112x16xf32, #tpu.memory_space<vmem_shared>>)
        %add3A_97 = arith.constant 2 : i32
        %add3A_98 = arith.addi %add3A_43, %add3A_97 : i32
        %lt3A = arith.constant 16 : i32
        %lt3A_99 = arith.cmpi slt, %add3A_98, %lt3A : i32
        %convert_element_type3A_100 = arith.extui %lt3A_99 : i1 to i32
        %cond3A_101 = arith.constant 0 : i32
        %cond3A_102 = arith.cmpi ne, %convert_element_type3A_100, %cond3A_101 : i32
        scf.if %cond3A_102 {
          %add3A_124 = arith.constant 2 : i32
          %add3A_125 = arith.addi %add3A_43, %add3A_124 : i32
          %dma_start3A_126 = arith.constant 0 : i32
          %dma_start3A_127 = tpu.memref_slice %arg10[%add3A_125, %dma_start3A_126] : memref<16x128xi32, #tpu.memory_space<vmem>> -> memref<1x128xi32, #tpu.memory_space<vmem>>
          %dma_start3A_128 = tpu.memref_squeeze %dma_start3A_127 : memref<1x128xi32, #tpu.memory_space<vmem>> -> memref<128xi32, #tpu.memory_space<vmem>>
          %dma_start3A_129 = arith.constant 0 : i32
          %dma_start3A_130 = arith.constant 0 : i32
          %dma_start3A_131 = tpu.memref_slice %arg2[%dma_start3A_129, %dma_start3A_130] : memref<20000x128xf32, #tpu.memory_space<hbm>> -> memref<20000x128xf32, #tpu.memory_space<hbm>>
          tpu.enqueue_indirect_dma source(%dma_start3A_131 : memref<20000x128xf32, #tpu.memory_space<hbm>>) target(%arg12 : memref<128x128xf32, #tpu.memory_space<vmem>>) offsets(%dma_start3A_128 : memref<128xi32, #tpu.memory_space<vmem>>) semaphore(%arg17 : memref<!tpu.dma_semaphore, #tpu.memory_space<semaphore_mem>>)
        } else {
        }
        %dma_wait3A_103 = arith.constant 0 : i32
        %dma_wait3A_104 = arith.constant 0 : i32
        %dma_wait3A_105 = tpu.memref_slice %arg11[%dma_wait3A_103, %dma_wait3A_104] : memref<16x128xi32, #tpu.memory_space<vmem>> -> memref<1x128xi32, #tpu.memory_space<vmem>>
        %dma_wait3A_106 = tpu.memref_squeeze %dma_wait3A_105 : memref<1x128xi32, #tpu.memory_space<vmem>> -> memref<128xi32, #tpu.memory_space<vmem>>
        %dma_wait3A_107 = arith.constant 0 : i32
        %dma_wait3A_108 = arith.constant 0 : i32
        %dma_wait3A_109 = tpu.memref_slice %arg15[%dma_wait3A_107, %dma_wait3A_108] : memref<10112x128xf32, #tpu.memory_space<vmem_shared>> -> memref<10112x128xf32, #tpu.memory_space<vmem_shared>>
        tpu.wait_indirect_dma semaphore(%arg20 : memref<!tpu.dma_semaphore, #tpu.memory_space<semaphore_mem>>) src(%arg13 : memref<128x128xf32, #tpu.memory_space<vmem>>) dst(%dma_wait3A_109 : memref<10112x128xf32, #tpu.memory_space<vmem_shared>>)
        %dma_wait3A_110 = arith.constant 0 : i32
        %dma_wait3A_111 = arith.constant 0 : i32
        %dma_wait3A_112 = tpu.memref_slice %arg11[%dma_wait3A_110, %dma_wait3A_111] : memref<16x128xi32, #tpu.memory_space<vmem>> -> memref<1x128xi32, #tpu.memory_space<vmem>>
        %dma_wait3A_113 = tpu.memref_squeeze %dma_wait3A_112 : memref<1x128xi32, #tpu.memory_space<vmem>> -> memref<128xi32, #tpu.memory_space<vmem>>
        %dma_wait3A_114 = arith.constant 0 : i32
        %dma_wait3A_115 = arith.constant 0 : i32
        %dma_wait3A_116 = tpu.memref_slice %arg16[%dma_wait3A_114, %dma_wait3A_115] : memref<10112x16xf32, #tpu.memory_space<vmem_shared>> -> memref<10112x16xf32, #tpu.memory_space<vmem_shared>>
        tpu.wait_indirect_dma semaphore(%arg22 : memref<!tpu.dma_semaphore, #tpu.memory_space<semaphore_mem>>) src(%arg14 : memref<128x16xf32, #tpu.memory_space<vmem>>) dst(%dma_wait3A_116 : memref<10112x16xf32, #tpu.memory_space<vmem_shared>>)
        %add3A_117 = arith.constant 3 : i32
        %add3A_118 = arith.addi %add3A_43, %add3A_117 : i32
        %lt3A_119 = arith.constant 16 : i32
        %lt3A_120 = arith.cmpi slt, %add3A_118, %lt3A_119 : i32
        %convert_element_type3A_121 = arith.extui %lt3A_120 : i1 to i32
        %cond3A_122 = arith.constant 0 : i32
        %cond3A_123 = arith.cmpi ne, %convert_element_type3A_121, %cond3A_122 : i32
        scf.if %cond3A_123 {
          %add3A_124 = arith.constant 3 : i32
          %add3A_125 = arith.addi %add3A_43, %add3A_124 : i32
          %dma_start3A_126 = arith.constant 0 : i32
          %dma_start3A_127 = tpu.memref_slice %arg10[%add3A_125, %dma_start3A_126] : memref<16x128xi32, #tpu.memory_space<vmem>> -> memref<1x128xi32, #tpu.memory_space<vmem>>
          %dma_start3A_128 = tpu.memref_squeeze %dma_start3A_127 : memref<1x128xi32, #tpu.memory_space<vmem>> -> memref<128xi32, #tpu.memory_space<vmem>>
          %dma_start3A_129 = arith.constant 0 : i32
          %dma_start3A_130 = arith.constant 0 : i32
          %dma_start3A_131 = tpu.memref_slice %arg2[%dma_start3A_129, %dma_start3A_130] : memref<20000x128xf32, #tpu.memory_space<hbm>> -> memref<20000x128xf32, #tpu.memory_space<hbm>>
          tpu.enqueue_indirect_dma source(%dma_start3A_131 : memref<20000x128xf32, #tpu.memory_space<hbm>>) target(%arg13 : memref<128x128xf32, #tpu.memory_space<vmem>>) offsets(%dma_start3A_128 : memref<128xi32, #tpu.memory_space<vmem>>) semaphore(%arg18 : memref<!tpu.dma_semaphore, #tpu.memory_space<semaphore_mem>>)
        } else {
        }
      }
      %scan3A_38 = arith.constant 8 : i32
    }
    %scan3A_10 = arith.constant 5 : i32
    %barrier3A_11 = arith.constant 0 : index
    tpu.barrier barrier_id(%barrier3A_11)
    "tpu.region"() ({
      %run_scoped3A = tpu.sem_alloc : memref<!tpu.dma_semaphore, #tpu.memory_space<semaphore_mem>>
      %dma_start3A = arith.constant 0 : i32
      %dma_start3A_14 = tpu.memref_slice %arg8[%arg0, %mul3A_0, %dma_start3A] : memref<2x10112x128xf32, #tpu.memory_space<hbm>> -> memref<1x632x128xf32, #tpu.memory_space<hbm>>
      %dma_start3A_15 = tpu.memref_squeeze %dma_start3A_14 : memref<1x632x128xf32, #tpu.memory_space<hbm>> -> memref<632x128xf32, #tpu.memory_space<hbm>>
      %dma_start3A_16 = arith.constant 0 : i32
      %dma_start3A_17 = tpu.memref_slice %arg15[%mul3A_0, %dma_start3A_16] : memref<10112x128xf32, #tpu.memory_space<vmem_shared>> -> memref<632x128xf32, #tpu.memory_space<vmem_shared>>
      tpu.enqueue_dma source(%dma_start3A_17 : memref<632x128xf32, #tpu.memory_space<vmem_shared>>) target(%dma_start3A_15 : memref<632x128xf32, #tpu.memory_space<hbm>>) target_semaphore(%run_scoped3A : memref<!tpu.dma_semaphore, #tpu.memory_space<semaphore_mem>>)
      %dma_wait3A = arith.constant 0 : i32
      %dma_wait3A_18 = tpu.memref_slice %arg8[%arg0, %mul3A_0, %dma_wait3A] : memref<2x10112x128xf32, #tpu.memory_space<hbm>> -> memref<1x632x128xf32, #tpu.memory_space<hbm>>
      %dma_wait3A_19 = tpu.memref_squeeze %dma_wait3A_18 : memref<1x632x128xf32, #tpu.memory_space<hbm>> -> memref<632x128xf32, #tpu.memory_space<hbm>>
      %dma_wait3A_20 = arith.constant 0 : i32
      %dma_wait3A_21 = tpu.memref_slice %arg15[%mul3A_0, %dma_wait3A_20] : memref<10112x128xf32, #tpu.memory_space<vmem_shared>> -> memref<632x128xf32, #tpu.memory_space<vmem_shared>>
      tpu.wait_dma2 semaphore(%run_scoped3A : memref<!tpu.dma_semaphore, #tpu.memory_space<semaphore_mem>>) src(%dma_wait3A_21 : memref<632x128xf32, #tpu.memory_space<vmem_shared>>) dst(%dma_wait3A_19 : memref<632x128xf32, #tpu.memory_space<hbm>>)
      tpu.yield
    }) : () -> ()
    %eq3A = arith.constant 0 : i32
    %eq3A_12 = arith.cmpi eq, %arg0, %eq3A : i32
    %convert_element_type3A = arith.extui %eq3A_12 : i1 to i32
    %cond3A = arith.constant 0 : i32
    %cond3A_13 = arith.cmpi ne, %convert_element_type3A, %cond3A : i32
    scf.if %cond3A_13 {
      "tpu.region"() ({
        %run_scoped3A = tpu.sem_alloc : memref<!tpu.dma_semaphore, #tpu.memory_space<semaphore_mem>>
        %dma_start3A = arith.constant 0 : i32
        %dma_start3A_14 = tpu.memref_slice %arg9[%mul3A_0, %dma_start3A] : memref<10112x16xf32, #tpu.memory_space<hbm>> -> memref<632x16xf32, #tpu.memory_space<hbm>>
        %dma_start3A_15 = arith.constant 0 : i32
        %dma_start3A_16 = tpu.memref_slice %arg16[%mul3A_0, %dma_start3A_15] : memref<10112x16xf32, #tpu.memory_space<vmem_shared>> -> memref<632x16xf32, #tpu.memory_space<vmem_shared>>
        tpu.enqueue_dma source(%dma_start3A_16 : memref<632x16xf32, #tpu.memory_space<vmem_shared>>) target(%dma_start3A_14 : memref<632x16xf32, #tpu.memory_space<hbm>>) target_semaphore(%run_scoped3A : memref<!tpu.dma_semaphore, #tpu.memory_space<semaphore_mem>>)
        %dma_wait3A = arith.constant 0 : i32
        %dma_wait3A_17 = tpu.memref_slice %arg9[%mul3A_0, %dma_wait3A] : memref<10112x16xf32, #tpu.memory_space<hbm>> -> memref<632x16xf32, #tpu.memory_space<hbm>>
        %dma_wait3A_18 = arith.constant 0 : i32
        %dma_wait3A_19 = tpu.memref_slice %arg16[%mul3A_0, %dma_wait3A_18] : memref<10112x16xf32, #tpu.memory_space<vmem_shared>> -> memref<632x16xf32, #tpu.memory_space<vmem_shared>>
        tpu.wait_dma2 semaphore(%run_scoped3A : memref<!tpu.dma_semaphore, #tpu.memory_space<semaphore_mem>>) src(%dma_wait3A_19 : memref<632x16xf32, #tpu.memory_space<vmem_shared>>) dst(%dma_wait3A_17 : memref<632x16xf32, #tpu.memory_space<hbm>>)
        tpu.yield
      }) : () -> ()
    } else {
    }
    return
  }
}

module attributes {stable_mosaic.version = 14 : i64} {
  func.func @_tc_body(%arg0: i32, %arg1: memref<1000x256xf32, #tpu.memory_space<vmem>>, %arg2: memref<1000x256xf32, #tpu.memory_space<vmem>>, %arg3: memref<1000x16xf32, #tpu.memory_space<vmem>>, %arg4: memref<256x256xf32, #tpu.memory_space<vmem>>, %arg5: memref<256x256xf32, #tpu.memory_space<vmem>>, %arg6: memref<1x256xf32, #tpu.memory_space<vmem>>, %arg7: memref<1000x256xf32, #tpu.memory_space<vmem>>) attributes {dimension_semantics = [#tpu.dimension_semantics<arbitrary>], iteration_bounds = array<i64: 10>, scalar_prefetch = 0 : i64, scratch_operands = 0 : i64, tpu.core_type = #tpu.core_type<tc>, window_params = [{transform_indices = @transform_0, window_bounds = array<i64: 1000, 256>}, {transform_indices = @transform_1, window_bounds = array<i64: 1000, 256>}, {transform_indices = @transform_2, window_bounds = array<i64: 1000, 16>}, {pipeline_mode = #tpu.pipeline_mode<synchronous>, transform_indices = @transform_3, window_bounds = array<i64: 256, 256>}, {pipeline_mode = #tpu.pipeline_mode<synchronous>, transform_indices = @transform_4, window_bounds = array<i64: 256, 256>}, {pipeline_mode = #tpu.pipeline_mode<synchronous>, transform_indices = @transform_5, window_bounds = array<i64: 1, 256>}, {transform_indices = @transform_6, window_bounds = array<i64: 1000, 256>}]} {
    %get3A = arith.constant 0 : index
    %get3A_0 = arith.constant 0 : index
    %get3A_1 = vector.load %arg3[%get3A, %get3A_0] : memref<1000x16xf32, #tpu.memory_space<vmem>>, vector<1000x16xf32>
    %slice3A = vector.extract_strided_slice %get3A_1 {offsets = [0, 0], sizes = [1000, 1], strides = [1, 1]} : vector<1000x16xf32> to vector<1000x1xf32>
    %max3A = arith.constant 1.000000e+00 : f32
    %max3A_2 = vector.broadcast %max3A : f32 to vector<1000x1xf32>
    %max3A_3 = arith.maximumf %slice3A, %max3A_2 : vector<1000x1xf32>
    %div3A = arith.constant 1.000000e+00 : f32
    %div3A_4 = vector.broadcast %div3A : f32 to vector<1000x1xf32>
    %div3A_5 = arith.divf %div3A_4, %max3A_3 : vector<1000x1xf32>
    %get3A_6 = arith.constant 0 : index
    %get3A_7 = arith.constant 0 : index
    %get3A_8 = vector.load %arg1[%get3A_6, %get3A_7] : memref<1000x256xf32, #tpu.memory_space<vmem>>, vector<1000x256xf32>
    %get3A_9 = arith.constant 0 : index
    %get3A_10 = arith.constant 0 : index
    %get3A_11 = vector.load %arg4[%get3A_9, %get3A_10] : memref<256x256xf32, #tpu.memory_space<vmem>>, vector<256x256xf32>
    %dot_general3A = arith.constant dense<0.000000e+00> : vector<1000x256xf32>
    %dot_general3A_12 = tpu.matmul %get3A_8, %get3A_11, %dot_general3A {dimension_numbers = #tpu.dot_dimension_numbers<[1], [0], [0], [1], [0, 0, 1, 1], [], []>, precision = #tpu.contract_precision<fp32>, transpose_lhs_hint = false} : vector<1000x256xf32>, vector<256x256xf32>, vector<1000x256xf32> -> vector<1000x256xf32>
    %get3A_13 = arith.constant 0 : index
    %get3A_14 = arith.constant 0 : index
    %get3A_15 = vector.load %arg2[%get3A_13, %get3A_14] : memref<1000x256xf32, #tpu.memory_space<vmem>>, vector<1000x256xf32>
    %get3A_16 = arith.constant 0 : index
    %get3A_17 = arith.constant 0 : index
    %get3A_18 = vector.load %arg5[%get3A_16, %get3A_17] : memref<256x256xf32, #tpu.memory_space<vmem>>, vector<256x256xf32>
    %dot_general3A_19 = arith.constant dense<0.000000e+00> : vector<1000x256xf32>
    %dot_general3A_20 = tpu.matmul %get3A_15, %get3A_18, %dot_general3A_19 {dimension_numbers = #tpu.dot_dimension_numbers<[1], [0], [0], [1], [0, 0, 1, 1], [], []>, precision = #tpu.contract_precision<fp32>, transpose_lhs_hint = false} : vector<1000x256xf32>, vector<256x256xf32>, vector<1000x256xf32> -> vector<1000x256xf32>
    %mul3A = vector.broadcast %div3A_5 : vector<1000x1xf32> to vector<1000x256xf32>
    %mul3A_21 = arith.mulf %dot_general3A_12, %mul3A : vector<1000x256xf32>
    %add3A = arith.addf %mul3A_21, %dot_general3A_20 : vector<1000x256xf32>
    %get3A_22 = arith.constant 0 : index
    %get3A_23 = arith.constant 0 : index
    %get3A_24 = vector.load %arg6[%get3A_22, %get3A_23] : memref<1x256xf32, #tpu.memory_space<vmem>>, vector<1x256xf32>
    %add3A_25 = vector.broadcast %get3A_24 : vector<1x256xf32> to vector<1000x256xf32>
    %add3A_26 = arith.addf %add3A, %add3A_25 : vector<1000x256xf32>
    %swap3A = arith.constant 0 : index
    %swap3A_27 = arith.constant 0 : index
    %swap3A_28 = vector.load %arg7[%swap3A, %swap3A_27] : memref<1000x256xf32, #tpu.memory_space<vmem>>, vector<1000x256xf32>
    tpu.vector_store %arg7[%swap3A, %swap3A_27], %add3A_26 {strides = array<i32>} : memref<1000x256xf32, #tpu.memory_space<vmem>>, vector<1000x256xf32>,
    return
  }
  func.func @transform_0(%arg0: i32) -> (i32, i32) {
    %c0_i32 = arith.constant 0 : i32
    %c0_i32_0 = arith.constant 0 : i32
    return %arg0, %c0_i32 : i32, i32
  }
  func.func @transform_1(%arg0: i32) -> (i32, i32) {
    %c0_i32 = arith.constant 0 : i32
    %c0_i32_0 = arith.constant 0 : i32
    return %arg0, %c0_i32 : i32, i32
  }
  func.func @transform_2(%arg0: i32) -> (i32, i32) {
    %c0_i32 = arith.constant 0 : i32
    %c0_i32_0 = arith.constant 0 : i32
    return %arg0, %c0_i32 : i32, i32
  }
  func.func @transform_3(%arg0: i32) -> (i32, i32) {
    %c0_i32 = arith.constant 0 : i32
    %c0_i32_0 = arith.constant 0 : i32
    %c0_i32_1 = arith.constant 0 : i32
    return %c0_i32, %c0_i32_0 : i32, i32
  }
  func.func @transform_4(%arg0: i32) -> (i32, i32) {
    %c0_i32 = arith.constant 0 : i32
    %c0_i32_0 = arith.constant 0 : i32
    %c0_i32_1 = arith.constant 0 : i32
    return %c0_i32, %c0_i32_0 : i32, i32
  }
  func.func @transform_5(%arg0: i32) -> (i32, i32) {
    %c0_i32 = arith.constant 0 : i32
    %c0_i32_0 = arith.constant 0 : i32
    %c0_i32_1 = arith.constant 0 : i32
    return %c0_i32, %c0_i32_0 : i32, i32
  }
  func.func @transform_6(%arg0: i32) -> (i32, i32) {
    %c0_i32 = arith.constant 0 : i32
    %c0_i32_0 = arith.constant 0 : i32
    return %arg0, %c0_i32 : i32, i32
  }
}

</mosaic_0001>

<sc_bundles>
// kernel: kernel.4.cloned.1.call-start
scs
__scs_entry_jumppad:
0x0: {  	(pc) =	sbr.rel $0x88, $3  }
0x1: {  	(tag) =	ssettag $0x0;
	lr =	simm.s32 $0x1  }
0x2: {  	[smem:$0x3F9B] =	sst lr;
	_ =	strace $0xD0000000  }
0x3: {  	_ = 	snop  }
0x4: {  	_ = 	snop  }
0x5: {  	_ = 	snop  }
0x6: {  	_ = 	snop  }
0x7: {  	_ = 	snop  }
__scs_overlays_trampoline_lowered:
0x8: {  	[smem:$0x3FAA] =	sst s0  }
0x9: {  	[smem:$0x3FAB] =	sst s1  }
0xa: {  	[smem:$0x3FAC] =	sst s2  }
0xb: {  	[smem:$0x3FAD] =	sst s3  }
0xc: {  	[smem:$0x3FAE] =	sst s4  }
0xd: {  	[smem:$0x3FAF] =	sst s5  }
0xe: {  	[smem:$0x3FB0] =	sst s6  }
0xf: {  	[smem:$0x3FB1] =	sst s7  }
0x10: {  	[smem:$0x3FB2] =	sst s8  }
0x11: {  	[smem:$0x3FB3] =	sst s9;
	s0 =	simm.s32 @!p0 $0x0  }
0x12: {  	s1 =	sld [smem:$0x3F99];
	s0 =	simm.s32 @p0 $0x1  }
0x13: {  	[smem:$0x3FB4] =	sst s0;
	s0 =	simm.s32 @!p1 $0x0  }
0x14: {  	s2 =	sld [smem:$0x3F98];
	s0 =	simm.s32 @p1 $0x1  }
0x15: {  	[smem:$0x3FB5] =	sst s0;
	s0 =	simm.s32 @!p2 $0x0  }
0x16: {  	s3 =	sld [smem:$0x3FDB];
	s0 =	simm.s32 @p2 $0x1  }
0x17: {  	s4 =	simm.s32 $0x1BF5;
	[smem:$0x3FB7] =	sst s0  }
0x18: {  	s0 =	sld [smem:$0x3F9A];
	_ =	swait.ge [sflag:s4], $0x0  }
0x19: {  	s7 =	sld [smem:$0x3F9B]  }
0x1a: {  	s8 =	sadd.s32 $0xFFFFE003, lr  }
0x1b: {  	s9 =	sadd.s32 $0xFFFFFEF7, lr;
	s5 =	simm.s32 $0xFFFFFFFF;
	p2 =	slt.u32 s8, $0xFFFFF086  }
0x1c: {  	p1 =	slt.u32 s9, $0xF7A;
	s5 =	simm.s32 @!p2 $0x0  }
0x1d: {  	s5 =	simm.s32 @p1 $0x1;
	p0 =	seq.s32 s7, s2  }
0x1e: {  	s7 =	smul.u32 @!p0 $0xF7A, s2;
	p2 =	seq.s32 @!p0 s5, $0x0  }
0x1f: {  	s9 =	smul.u32 $0xF7A, s1;
	s8 =	simm.s32 @!p0 $0x1BF5;
	p2 =	por !p2, p0  }
0x20: {  	[sflag:s8] =	ssyncset.s32 @!p0 $0xFFFFF086;
	s6 =	sadd.s32 @!p0 s3, s7;
	s7 =	simm.s32 @!p0 $0x108  }
0x21: {  	s3 =	sadd.s32 s3, s9;
	s6 =	sadd.s32 @!p0 $0x88, s6;
	s7 =	simm.s32 @p2 $0x1082  }
0x22: {  	[simem:s7], [sflag:s8] =	dma.local @!p0 [hbm:s6], $0xF7A  }
0x23: {  	s9 =	sor.u32 $0xD0000000, s2;
	s6 =	simm.s32 $0x108;
	_ =	swait.ge @!p0 [sflag:s8], $0x0  }
0x24: {  	s3 =	sadd.s32 $0x88, s3;
	s6 =	simm.s32 @!p1 $0x1082;
	[sflag:s4] =	ssyncset.s32 $0xFFFFF086  }
0x25: {  	[simem:s6], [sflag:s4] =	dma.local [hbm:s3], $0xF7A  }
0x26: {  	[smem:$0x3F9B] =	sst s1;
	(tag) =	ssettag s2;
	_ =	strace s9  }
0x27: {  	s1 =	sld [smem:$0x3FAB]  }
0x28: {  	s2 =	sld [smem:$0x3FAC]  }
0x29: {  	s4 =	sld [smem:$0x3FAE]  }
0x2a: {  	p0 =	seq.s32 s5, $0x0;
	s5 =	sld [smem:$0x3FAF]  }
0x2b: {  	s6 =	sld [smem:$0x3FB0]  }
0x2c: {  	s7 =	sld [smem:$0x3FB1]  }
0x2d: {  	s3 =	simm.s32 $0x108;
	s8 =	sld [smem:$0x3FB2]  }
0x2e: {  	s3 =	simm.s32 @!p0 $0x1082;
	s9 =	sld [smem:$0x3FB3]  }
0x2f: {  	lr =	sadd.s32 s0, s3;
	s0 =	sld [smem:$0x3FAA]  }
0x30: {  	s3 =	sld [smem:$0x3FAD]  }
0x31: {  	[smem:$0x3FB6] =	sst s10  }
0x32: {  	s10 =	sld [smem:$0x3FB4];
	_ =	sdelay $0x3  }
0x33: {  	p0 =	seq.s32 s10, $0x1;
	s10 =	sld [smem:$0x3FB6];
	_ =	sdelay $0x3  }
0x34: {  	[smem:$0x3FB6] =	sst s10  }
0x35: {  	s10 =	sld [smem:$0x3FB5];
	_ =	sdelay $0x3  }
0x36: {  	p1 =	seq.s32 s10, $0x1;
	s10 =	sld [smem:$0x3FB6];
	_ =	sdelay $0x3  }
0x37: {  	[smem:$0x3FB6] =	sst s10  }
0x38: {  	s10 =	sld [smem:$0x3FB7]  }
0x39: {  	_ = 	snop;
	(pc) =	sbr.ind lr, $3  }
0x3a: {  	_ = 	snop  }
0x3b: {  	_ = 	snop  }
0x3c: {  	p2 =	seq.s32 s10, $0x1;
	s10 =	sld [smem:$0x3FB6]  }
0x3d: {  	_ =	shalt  }
0x3e: {  	_ =	shalt  }
0x3f: {  	_ =	shalt  }
0x40: {  	_ =	shalt  }
0x41: {  	_ =	shalt  }
0x42: {  	_ =	shalt  }
0x43: {  	_ =	shalt  }
0x44: {  	_ =	shalt  }
0x45: {  	_ =	shalt  }
0x46: {  	_ =	shalt  }
0x47: {  	_ =	shalt  }
0x48: {  	_ =	shalt  }
0x49: {  	_ =	shalt  }
0x4a: {  	_ =	shalt  }
0x4b: {  	_ =	shalt  }
0x4c: {  	_ =	shalt  }
0x4d: {  	_ =	shalt  }
0x4e: {  	_ =	shalt  }
0x4f: {  	_ =	shalt  }
0x50: {  	_ =	shalt  }
0x51: {  	_ =	shalt  }
0x52: {  	_ =	shalt  }
0x53: {  	_ =	shalt  }
0x54: {  	_ =	shalt  }
0x55: {  	_ =	shalt  }
0x56: {  	_ =	shalt  }
0x57: {  	_ =	shalt  }
0x58: {  	_ =	shalt  }
0x59: {  	_ =	shalt  }
0x5a: {  	_ =	shalt  }
0x5b: {  	_ =	shalt  }
0x5c: {  	_ =	shalt  }
0x5d: {  	_ =	shalt  }
0x5e: {  	_ =	shalt  }
0x5f: {  	_ =	shalt  }
0x60: {  	_ =	shalt  }
0x61: {  	_ =	shalt  }
0x62: {  	_ =	shalt  }
0x63: {  	_ =	shalt  }
0x64: {  	_ =	shalt  }
0x65: {  	_ =	shalt  }
0x66: {  	_ =	shalt  }
0x67: {  	_ =	shalt  }
0x68: {  	_ =	shalt  }
0x69: {  	_ =	shalt  }
0x6a: {  	_ =	shalt  }
0x6b: {  	_ =	shalt  }
0x6c: {  	_ =	shalt  }
0x6d: {  	_ =	shalt  }
0x6e: {  	_ =	shalt  }
0x6f: {  	_ =	shalt  }
0x70: {  	_ =	shalt  }
0x71: {  	_ =	shalt  }
0x72: {  	_ =	shalt  }
0x73: {  	_ =	shalt  }
0x74: {  	_ =	shalt  }
0x75: {  	_ =	shalt  }
0x76: {  	_ =	shalt  }
0x77: {  	_ =	shalt  }
0x78: {  	_ =	shalt  }
0x79: {  	_ =	shalt  }
0x7a: {  	_ =	shalt  }
0x7b: {  	_ =	shalt  }
0x7c: {  	_ =	shalt  }
0x7d: {  	_ =	shalt  }
0x7e: {  	_ =	shalt  }
0x7f: {  	_ =	shalt  }
0x80: {  	_ =	shalt  }
0x81: {  	_ =	shalt  }
0x82: {  	_ =	shalt  }
0x83: {  	_ =	shalt  }
0x84: {  	_ =	shalt  }
0x85: {  	_ =	shalt  }
0x86: {  	_ =	shalt  }
0x87: {  	_ =	shalt  }
.Lfunc_end0:
.L_simem_size_0:
called_computation_lowered:
.L_overlay_start_0:
0x88: {  	s2 =	sld [smem:$0x3FD9]  }
0x89: {  	s3 =	sld [smem:$0x3FFE];
	_ =	sdelay $0x1  }
0x8a: {  	s1 =	srdreg.scid  }
0x8b: {  	s0 =	sand.u32 $0x1, s1  }
0x8c: {  	s17 =	sshll.u32 s0, $0xA;
	s2 =	sadd.s32 s3, s2  }
0x8d: {  	s2 =	sadd.s32 s2, s17  }
0x8e: {  	[smem:$0x3FC2] =	sst s2  }
0x8f: {  	_ = 	snop  }
0x90: {  	s2 =	sld [smem:$0x3FD0];
	(tm) =	ssettm $0x1  }
0x91: {  	s18 =	sld [smem:$0x3FFB];
	_ =	sdelay $0x3  }
0x92: {  	_ =	strace s18  }
0x93: {  	s3 =	sld [smem:$0x3FFC];
	_ =	sdelay $0x3  }
0x94: {  	_ =	strace s3  }
0x95: {  	s3 =	sld [smem:$0x3FFD];
	_ =	sdelay $0x3  }
0x96: {  	_ =	strace s3  }
0x97: {  	_ =	strace $0x8FFFFFFF  }
0x98: {  	s19 =	sld [smem:$0x3FDB];
	_ =	sdelay $0x1  }
0x99: {  	s4 =	simm.s32 $_scs_section_size  }
0x9a: {  	s5 =	simm.s32 $_size__tile_overlayer_lowered;
	s6 =	simm.s32 $_tile_overlayer_lowered  }
0x9b: {  	s22 =	simm.s32 $0x1BFF;
	s21 =	sshll.u32 s6, $0x1;
	s3 =	sadd.s32 s4, s19  }
0x9c: {  	s7 =	simm.s32 $0x0;
	s20 =	sshll.u32 s5, $0x1;
	s5 =	sadd.s32 s21, s3  }
0x9d: {  	[timem:s7], [sflag:s22] =	dma.local [hbm:s5], s20  }
0x9e: {  	_ =	swait.ge [sflag:s22], s20  }
0x9f: {  	s4 =	ssub.s32 $0x0, s20;
	[sflag:s22] =	ssyncset.done $0x0  }
0xa0: {  	[sflag:s22] =	ssyncadd.s32 s4;
	_ =	sdelay $0x1  }
0xa1: {  	s23 =	simm.s32 $0x1B8B  }
0xa2: {  	_ =	swait.ge [sflag:s23], $0x1  }
0xa3: {  	[sflag:s23] =	ssyncset.done $0x0  }
0xa4: {  	s25 =	simm.s32 $0x1B8E;
	s24 =	sld [smem:$0x3FFE];
	[sflag:s23] =	ssyncadd.s32 $0xFFFFFFFF  }
0xa5: {  	s26 =	simm.s32 $execute0_lowered;
	[smem:$0x3FD2] =	sst s25  }
0xa6: {  	s5 =	sshll.u32 s26, $0x1;
	_ =	strace $0x80000046;
	[dreg:$0x1] =	wrdreg $0xFFFFFFFF  }
0xa7: {  	s28 =	simm.s32 $_size_execute0_lowered;
	s3 =	sadd.s32 s3, s5;
	[dreg:$0x0] =	wrdreg $0x0  }
0xa8: {  	s5 =	sshll.u32 s28, $0x1;
	[dreg:$0x2] =	wrdreg s3  }
0xa9: {  	[dreg:$0x3] =	wrdreg s5  }
0xaa: {  	[dreg:$0x4] =	wrdreg $0xC0  }
0xab: {  	_ =	task [dreg:s7], $0x5FFFF  }
0xac: {  	[dreg:$0x1] =	wrdreg $0xFFFFFFFF  }
0xad: {  	[dreg:$0x0] =	wrdreg $0x60  }
0xae: {  	[dreg:$0x2] =	wrdreg s2  }
0xaf: {  	[dreg:$0x3] =	wrdreg s24  }
0xb0: {  	[dreg:$0x4] =	wrdreg $0x98000  }
0xb1: {  	[dreg:$0x5] =	wrdreg $0x1D4000  }
0xb2: {  	[dreg:$0x6] =	wrdreg $0x9  }
0xb3: {  	_ =	task.clear_ibuf [dreg:s7], $0x7FFFF;
	_ =	strace $0x90000046  }
0xb4: {  	s29 =	simm.s32 $0x9;
	_ =	strace $0x80000048  }
0xb5: {  	_ =	swait.ge [sflag:s29], $0x1  }
0xb6: {  	[sflag:s29] =	ssyncadd.s32 $0xFFFFFFFF  }
0xb7: {  	_ =	strace $0x90000048  }
0xb8: {  	_ =	sfence  }
0xb9: {  	s30 =	sld [smem:$0x0];
	_ =	sdelay $0x2  }
0xba: {  	s31 =	sshll.u32 s1, $0xD;
	s1 =	sshrl.u32 s1, $0x2  }
0xbb: {  	s3 =	sand.u32 $0x4000, s31;
	s1 =	sadd.s32 s1, s30  }
0xbc: {  	s0 =	sor.u32 s3, s0;
	s1 =	sshll.u32 s1, $0x11  }
0xbd: {  	s0 =	sor.u32 s1, s0  }
0xbe: {  	s0 =	sadd.s32 $0x8F2B, s0  }
0xbf: {  	[sflag:s0] =	ssyncadd.remote.s32 $0x1  }
0xc0: {  	_ =	sfence.sel $0xFFFF  }
0xc1: {  	[dreg:$0x0] =	wrdreg $0xFFFFFFFF;
	(pc) =	sbr.abs _section_cstart, $3  }
0xc2: {  	[dreg:$0x1] =	wrdreg $0xFFFFFFFF  }
0xc3: {  	_ =	task.clear_ibuf [dreg:s7], $0x2FFFF;
	_ =	strace $0x9FFFFFFF  }
0xc4: {  	(tm) =	ssettm $0x7FFFFFFF  }
0xc5: {  	_ =	shalt  }
tec
execute0_lowered:
.L_overlay_start_1:
0x0: {  	(tag) =	ssettag $0x1  }
0x1: {  	s1 =	rddreg [dreg:$0x0]  }
0x2: {  	s2 =	rddreg [dreg:$0x1]  }
0x3: {  	s3 =	rddreg [dreg:$0x2]  }
0x4: {  	s4 =	rddreg [dreg:$0x3]  }
0x5: {  	s14 =	stileid.u32;
	s0 =	srdreg.scid  }
0x6: {  	s5 =	simm.s32 $0x0;
	s30 =	simm.s32 $0x100;
	s16 =	simm.s32 $0x380  }
0x7: {  	s6 =	smul.u32 $0x500, s14;
	[smem:$0x7FF] =	sst s5;
	s9 =	sadd.s32 $0x10800, s2  }
0x8: {  	s10 =	sadd.s32 $0x10200, s2;
	_ =	strace $0x80000047;
	[dreg:$0x15] =	wrdreg s9  }
0x9: {  	s7 =	smul.u32 $0x13C00, s14;
	s11 =	sadd.s32 $0x10000, s2;
	[dreg:$0x16] =	wrdreg s10  }
0xa: {  	s17 =	simm.s32 $0x400;
	s23 =	smul.u32 $0x2780, s14;
	[dreg:$0x17] =	wrdreg s11  }
0xb: {  	s26 =	sshll.u32 s14, $0x6;
	s14 =	simm.s32 $0x300;
	[dreg:$0x7] =	wrdreg s30  }
0xc: {  	s18 =	simm.s32 $0x480;
	s20 =	simm.s32 $0x500;
	[dreg:$0xb] =	wrdreg s14  }
0xd: {  	s21 =	simm.s32 $0x580;
	s22 =	simm.s32 $0x600;
	[dreg:$0xc] =	wrdreg s16  }
0xe: {  	s28 =	simm.s32 $0x4;
	s0 =	sand.u32 $0x1, s0;
	[dreg:$0xd] =	wrdreg s17  }
0xf: {  	s29 =	simm.s32 $0x6;
	s8 =	smul.u32 $0x13C000, s0;
	[dreg:$0xe] =	wrdreg s18  }
0x10: {  	s24 =	smul.u32 $0x5000, s0;
	s25 =	ssub.s32 $0x2, s0;
	[dreg:$0xf] =	wrdreg s20  }
0x11: {  	s17 =	simm.s32 $0x9000;
	s18 =	simm.s32 $0x800;
	[dreg:$0x10] =	wrdreg s21  }
0x12: {  	[dreg:$0x11] =	wrdreg s22;
	s20 =	simm.s32 $0x1000;
	s21 =	simm.s32 $0x5000  }
0x13: {  	s22 =	simm.s32 $0x1;
	p0 =	sne.s32 s0, $0x0;
	s16 =	simm.s32 $0xE00  }
0x14: {  	s14 =	simm.s32 $0xF00;
	s30 =	simm.s32 $0x0;
	s6 =	sadd.s32 s6, s2  }
0x15: {  	s12 =	sshrl.u32 s23, $0x3;
	s13 =	sshrl.u32 s25, $0x1;
	s9 =	sadd.s32 s23, s4  }
0x16: {  	s23 =	simm.s32 $0x680;
	[dreg:$0x1f] =	wrdreg s30;
	s8 =	sadd.s32 s7, s8  }
0x17: {  	s10 =	sadd.s32 s24, s6;
	s11 =	ssub.s32 s25, s13;
	s7 =	sadd.s32 s7, s3  }
0x18: {  	s6 =	sadd.s32 $0xB000, s6;
	s24 =	sor.u32 $0x1C07, s26;
	[dreg:$0x19] =	wrdreg s9  }
0x19: {  	s13 =	simm.s32 $0x280;
	s19 =	sshrl.u32 s9, $0x3;
	[dreg:$0x12] =	wrdreg s23  }
0x1a: {  	s25 =	simm.s32 $0x700;
	s26 =	simm.s32 $0x780;
	[dreg:$0x6] =	wrdreg s6  }
0x1b: {  	s23 =	simm.s32 $0x2;
	s9 =	simm.s32 $0xF80;
	[dreg:$0xa] =	wrdreg s13  }
0x1c: {  	s8 =	sshrl.u32 s8, $0x3;
	s10 =	sadd.s32 $0x1000, s10;
	[dreg:$0x1e] =	wrdreg s19  }
0x1d: {  	s15 =	smax.u32 s11, $0x1;
	s31 =	sshrl.u32 s7, $0x3;
	[dreg:$0x13] =	wrdreg s25  }
0x1e: {  	s19 =	simm.s32 $0x80;
	[dreg:$0x14] =	wrdreg s26;
	s25 =	simm.s32 $0x3  }
0x1f: {  	s26 =	simm.s32 $0x5;
	s6 =	simm.s32 $0xB00;
	[dreg:$0x18] =	wrdreg s24  }
0x20: {  	s7 =	simm.s32 $0xB80;
	s11 =	simm.s32 $0xC80;
	[dreg:$0x5] =	wrdreg s10  }
0x21: {  	s13 =	simm.s32 $0xD80;
	s8 =	sadd.s32 s8, s2;
	[dreg:$0x1c] =	wrdreg s15  }
0x22: {  	s2 =	sadd.s32 s12, s2;
	s10 =	simm.s32 $0x180;
	[dreg:$0x1d] =	wrdreg s31  }
0x23: {  	s12 =	simm.s32 $0x200;
	s15 =	simm.s32 $0x7;
	[dreg:$0x8] =	wrdreg s10  }
0x24: {  	s8 =	sadd.s32 $0x13000, s8;
	[dreg:$0x9] =	wrdreg s12;
	s2 =	sadd.s32 $0x62000, s2  }
0x25: {  	s12 =	simm.s32 $0xD00;
	s10 =	simm.s32 $0xE80;
	[dreg:$0x1a] =	wrdreg s8  }
0x26: {  	[dreg:$0x1b] =	wrdreg s2;
	s2 =	simm.s32 $0xA80;
	s8 =	simm.s32 $0xC00  }
.LBB2_1:
0x27: {  	s0 =	rddreg [dreg:$0x15]  }
0x28: {  	[spmem:s31], [sflag:s24] =	dma.local [hbm:s0], $0x2780  }
0x29: {  	_ =	swait.ge [sflag:s15], $0x2780  }
0x2a: {  	[sflag:s15] =	ssyncset.done $0x0;
	s0 =	rddreg [dreg:$0x16]  }
0x2b: {  	s30 =	rddreg [dreg:$0x1e];
	[sflag:s15] =	ssyncadd.s32 $0xFFFFD880  }
0x2c: {  	[spmem:s30], [sflag:s24] =	dma.local [hbm:s0], $0x4F0  }
0x2d: {  	_ =	swait.ge [sflag:s15], $0x4F0  }
0x2e: {  	[sflag:s15] =	ssyncset.done $0x0  }
0x2f: {  	s24 =	rddreg [dreg:$0x17];
	[sflag:s15] =	ssyncadd.s32 $0xFFFFFB10  }
0x30: {  	[tilespmem:s17], [sflag:$0x7] =	stream.linear.gather [hbm4b:s24+s5], $0x800, $0x38;
	[tilespmem:$0x1FB80] =	vst v63  }
0x31: {  	_ =	swait.ge [sflag:s15], $0x800  }
0x32: {  	[sflag:s15] =	ssyncset.done $0x0  }
0x33: {  	[sflag:s15] =	ssyncadd.s32 $0xFFFFF800  }
0x34: {  	[bflag:$0x0] =	sbarrier.arrive $0xFFFF  }
0x35: {  	s0 =	rddreg [dreg:$0x5]  }
0x36: {  	s24 =	sadd.s32 $0x0, s0  }
0x37: {  	[tilespmem:s5], [sflag:$0x7] =	stream.linear.gather [hbm4b:s24+s5], $0x800, $0x38;
	[tilespmem:$0x1FB80] =	vst v63  }
0x38: {  	_ =	swait.ge [sflag:s15], $0x800  }
0x39: {  	s0 =	rddreg [dreg:$0x6];
	[sflag:s15] =	ssyncset.done $0x0  }
0x3a: {  	[sflag:s15] =	ssyncadd.s32 $0xFFFFF800;
	s24 =	sadd.s32 $0x0, s0  }
0x3b: {  	[tilespmem:s18], [sflag:$0x7] =	stream.linear.gather [hbm4b:s24+s5], $0x800, $0x38;
	[tilespmem:$0x1FB80] =	vst v63  }
0x3c: {  	_ =	swait.ge [sflag:s15], $0x800  }
0x3d: {  	[sflag:s15] =	ssyncset.done $0x0  }
0x3e: {  	[sflag:s15] =	ssyncadd.s32 $0xFFFFF800  }
0x3f: {  	[tilespmem:s20], [sflag:$0x1] =	stream.indirect.gather [hbm4b:s1+s19], $0x80, s5, s19, $0xb8;
	[tilespmem:$0x1FB80] =	vst v63  }
0x40: {  	_ = 	snop  }
0x41: {  	[tilespmem:s21], [sflag:$0x2] =	stream.indirect.gather [hbm4b:s1+s19], $0x80, s19, s19, $0xb8;
	[tilespmem:$0x1FB80] =	vst v63  }
0x42: {  	_ =	swait.ge [sflag:s22], $0x4000  }
0x43: {  	[sflag:s22] =	ssyncset.done $0x0  }
0x44: {  	[sflag:s22] =	ssyncadd.s32 $0xFFFFC000  }
0x45: {  	[spmem:s3] =	stream.indirect.scatter.add.f32 [tilespmem:s20], [sflag:$0x3], $0x80, s18, s19, $0xb8;
	[tilespmem:$0x1FB80] =	vst v63  }
0x46: {  	_ = 	snop  }
0x47: {  	[spmem:s4] =	stream.indirect.scatter.add.f32 [tilespmem:s17], [sflag:$0x5], $0x10, s18, s19, $0xb8;
	[tilespmem:$0x1FB80] =	vst v63  }
0x48: {  	_ =	swait.ge [sflag:s23], $0x4000  }
0x49: {  	[sflag:s23] =	ssyncset.done $0x0  }
0x4a: {  	s24 =	simm.s32 $0x880;
	[sflag:s23] =	ssyncadd.s32 $0xFFFFC000  }
0x4b: {  	[spmem:s3] =	stream.indirect.scatter.add.f32 [tilespmem:s21], [sflag:$0x4], $0x80, s24, s19, $0xb8;
	[tilespmem:$0x1FB80] =	vst v63  }
0x4c: {  	_ = 	snop  }
0x4d: {  	[spmem:s4] =	stream.indirect.scatter.add.f32 [tilespmem:s17], [sflag:$0x6], $0x10, s24, s19, $0xb8;
	[tilespmem:$0x1FB80] =	vst v63  }
0x4e: {  	_ =	swait.ge [sflag:s25], $0x4000  }
0x4f: {  	[sflag:s25] =	ssyncset.done $0x0  }
0x50: {  	[sflag:s25] =	ssyncadd.s32 $0xFFFFC000  }
0x51: {  	_ =	swait.ge [sflag:s26], $0x800  }
0x52: {  	[sflag:s26] =	ssyncset.done $0x0  }
0x53: {  	s0 =	rddreg [dreg:$0x7];
	[sflag:s26] =	ssyncadd.s32 $0xFFFFF800  }
0x54: {  	[tilespmem:s20], [sflag:$0x1] =	stream.indirect.gather [hbm4b:s1+s19], $0x80, s0, s19, $0xb8;
	[tilespmem:$0x1FB80] =	vst v63  }
0x55: {  	_ =	swait.ge [sflag:s28], $0x4000  }
0x56: {  	[sflag:s28] =	ssyncset.done $0x0  }
0x57: {  	[sflag:s28] =	ssyncadd.s32 $0xFFFFC000  }
0x58: {  	_ =	swait.ge [sflag:s29], $0x800  }
0x59: {  	[sflag:s29] =	ssyncset.done $0x0  }
0x5a: {  	s0 =	rddreg [dreg:$0x8];
	[sflag:s29] =	ssyncadd.s32 $0xFFFFF800  }
0x5b: {  	[tilespmem:s21], [sflag:$0x2] =	stream.indirect.gather [hbm4b:s1+s19], $0x80, s0, s19, $0xb8;
	[tilespmem:$0x1FB80] =	vst v63  }
0x5c: {  	_ =	swait.ge [sflag:s22], $0x4000  }
0x5d: {  	[sflag:s22] =	ssyncset.done $0x0  }
0x5e: {  	s24 =	simm.s32 $0x900;
	[sflag:s22] =	ssyncadd.s32 $0xFFFFC000  }
0x5f: {  	[spmem:s3] =	stream.indirect.scatter.add.f32 [tilespmem:s20], [sflag:$0x3], $0x80, s24, s19, $0xb8;
	[tilespmem:$0x1FB80] =	vst v63  }
0x60: {  	_ = 	snop  }
0x61: {  	[spmem:s4] =	stream.indirect.scatter.add.f32 [tilespmem:s17], [sflag:$0x5], $0x10, s24, s19, $0xb8;
	[tilespmem:$0x1FB80] =	vst v63  }
0x62: {  	_ =	swait.ge [sflag:s23], $0x4000  }
0x63: {  	[sflag:s23] =	ssyncset.done $0x0  }
0x64: {  	s24 =	simm.s32 $0x980;
	[sflag:s23] =	ssyncadd.s32 $0xFFFFC000  }
0x65: {  	[spmem:s3] =	stream.indirect.scatter.add.f32 [tilespmem:s21], [sflag:$0x4], $0x80, s24, s19, $0xb8;
	[tilespmem:$0x1FB80] =	vst v63  }
0x66: {  	_ = 	snop  }
0x67: {  	[spmem:s4] =	stream.indirect.scatter.add.f32 [tilespmem:s17], [sflag:$0x6], $0x10, s24, s19, $0xb8;
	[tilespmem:$0x1FB80] =	vst v63  }
0x68: {  	_ =	swait.ge [sflag:s25], $0x4000  }
0x69: {  	[sflag:s25] =	ssyncset.done $0x0  }
0x6a: {  	[sflag:s25] =	ssyncadd.s32 $0xFFFFC000  }
0x6b: {  	_ =	swait.ge [sflag:s26], $0x800  }
0x6c: {  	[sflag:s26] =	ssyncset.done $0x0  }
0x6d: {  	s0 =	rddreg [dreg:$0x9];
	[sflag:s26] =	ssyncadd.s32 $0xFFFFF800  }
0x6e: {  	[tilespmem:s20], [sflag:$0x1] =	stream.indirect.gather [hbm4b:s1+s19], $0x80, s0, s19, $0xb8;
	[tilespmem:$0x1FB80] =	vst v63  }
0x6f: {  	_ =	swait.ge [sflag:s28], $0x4000  }
0x70: {  	[sflag:s28] =	ssyncset.done $0x0  }
0x71: {  	[sflag:s28] =	ssyncadd.s32 $0xFFFFC000  }
0x72: {  	_ =	swait.ge [sflag:s29], $0x800  }
0x73: {  	[sflag:s29] =	ssyncset.done $0x0  }
0x74: {  	s0 =	rddreg [dreg:$0xa];
	[sflag:s29] =	ssyncadd.s32 $0xFFFFF800  }
0x75: {  	[tilespmem:s21], [sflag:$0x2] =	stream.indirect.gather [hbm4b:s1+s19], $0x80, s0, s19, $0xb8;
	[tilespmem:$0x1FB80] =	vst v63  }
0x76: {  	_ =	swait.ge [sflag:s22], $0x4000  }
0x77: {  	[sflag:s22] =	ssyncset.done $0x0  }
0x78: {  	s24 =	simm.s32 $0xA00;
	[sflag:s22] =	ssyncadd.s32 $0xFFFFC000  }
0x79: {  	[spmem:s3] =	stream.indirect.scatter.add.f32 [tilespmem:s20], [sflag:$0x3], $0x80, s24, s19, $0xb8;
	[tilespmem:$0x1FB80] =	vst v63  }
0x7a: {  	_ = 	snop  }
0x7b: {  	[spmem:s4] =	stream.indirect.scatter.add.f32 [tilespmem:s17], [sflag:$0x5], $0x10, s24, s19, $0xb8;
	[tilespmem:$0x1FB80] =	vst v63  }
0x7c: {  	_ =	swait.ge [sflag:s23], $0x4000  }
0x7d: {  	[sflag:s23] =	ssyncset.done $0x0  }
0x7e: {  	[sflag:s23] =	ssyncadd.s32 $0xFFFFC000  }
0x7f: {  	[spmem:s3] =	stream.indirect.scatter.add.f32 [tilespmem:s21], [sflag:$0x4], $0x80, s2, s19, $0xb8;
	[tilespmem:$0x1FB80] =	vst v63  }
0x80: {  	_ = 	snop  }
0x81: {  	[spmem:s4] =	stream.indirect.scatter.add.f32 [tilespmem:s17], [sflag:$0x6], $0x10, s2, s19, $0xb8;
	[tilespmem:$0x1FB80] =	vst v63  }
0x82: {  	_ =	swait.ge [sflag:s25], $0x4000  }
0x83: {  	[sflag:s25] =	ssyncset.done $0x0  }
0x84: {  	[sflag:s25] =	ssyncadd.s32 $0xFFFFC000  }
0x85: {  	_ =	swait.ge [sflag:s26], $0x800  }
0x86: {  	[sflag:s26] =	ssyncset.done $0x0  }
0x87: {  	s0 =	rddreg [dreg:$0xb];
	[sflag:s26] =	ssyncadd.s32 $0xFFFFF800  }
0x88: {  	[tilespmem:s20], [sflag:$0x1] =	stream.indirect.gather [hbm4b:s1+s19], $0x80, s0, s19, $0xb8;
	[tilespmem:$0x1FB80] =	vst v63  }
0x89: {  	_ =	swait.ge [sflag:s28], $0x4000  }
0x8a: {  	[sflag:s28] =	ssyncset.done $0x0  }
0x8b: {  	[sflag:s28] =	ssyncadd.s32 $0xFFFFC000  }
0x8c: {  	_ =	swait.ge [sflag:s29], $0x800  }
0x8d: {  	[sflag:s29] =	ssyncset.done $0x0  }
0x8e: {  	s0 =	rddreg [dreg:$0xc];
	[sflag:s29] =	ssyncadd.s32 $0xFFFFF800  }
0x8f: {  	[tilespmem:s21], [sflag:$0x2] =	stream.indirect.gather [hbm4b:s1+s19], $0x80, s0, s19, $0xb8;
	[tilespmem:$0x1FB80] =	vst v63  }
0x90: {  	_ =	swait.ge [sflag:s22], $0x4000  }
0x91: {  	[sflag:s22] =	ssyncset.done $0x0  }
0x92: {  	[sflag:s22] =	ssyncadd.s32 $0xFFFFC000  }
0x93: {  	[spmem:s3] =	stream.indirect.scatter.add.f32 [tilespmem:s20], [sflag:$0x3], $0x80, s6, s19, $0xb8;
	[tilespmem:$0x1FB80] =	vst v63  }
0x94: {  	_ = 	snop  }
0x95: {  	[spmem:s4] =	stream.indirect.scatter.add.f32 [tilespmem:s17], [sflag:$0x5], $0x10, s6, s19, $0xb8;
	[tilespmem:$0x1FB80] =	vst v63  }
0x96: {  	_ =	swait.ge [sflag:s23], $0x4000  }
0x97: {  	[sflag:s23] =	ssyncset.done $0x0  }
0x98: {  	[sflag:s23] =	ssyncadd.s32 $0xFFFFC000  }
0x99: {  	[spmem:s3] =	stream.indirect.scatter.add.f32 [tilespmem:s21], [sflag:$0x4], $0x80, s7, s19, $0xb8;
	[tilespmem:$0x1FB80] =	vst v63  }
0x9a: {  	_ = 	snop  }
0x9b: {  	[spmem:s4] =	stream.indirect.scatter.add.f32 [tilespmem:s17], [sflag:$0x6], $0x10, s7, s19, $0xb8;
	[tilespmem:$0x1FB80] =	vst v63  }
0x9c: {  	_ =	swait.ge [sflag:s25], $0x4000  }
0x9d: {  	[sflag:s25] =	ssyncset.done $0x0  }
0x9e: {  	[sflag:s25] =	ssyncadd.s32 $0xFFFFC000  }
0x9f: {  	_ =	swait.ge [sflag:s26], $0x800  }
0xa0: {  	[sflag:s26] =	ssyncset.done $0x0  }
0xa1: {  	s0 =	rddreg [dreg:$0xd];
	[sflag:s26] =	ssyncadd.s32 $0xFFFFF800  }
0xa2: {  	[tilespmem:s20], [sflag:$0x1] =	stream.indirect.gather [hbm4b:s1+s19], $0x80, s0, s19, $0xb8;
	[tilespmem:$0x1FB80] =	vst v63  }
0xa3: {  	_ =	swait.ge [sflag:s28], $0x4000  }
0xa4: {  	[sflag:s28] =	ssyncset.done $0x0  }
0xa5: {  	[sflag:s28] =	ssyncadd.s32 $0xFFFFC000  }
0xa6: {  	_ =	swait.ge [sflag:s29], $0x800  }
0xa7: {  	[sflag:s29] =	ssyncset.done $0x0  }
0xa8: {  	s0 =	rddreg [dreg:$0xe];
	[sflag:s29] =	ssyncadd.s32 $0xFFFFF800  }
0xa9: {  	[tilespmem:s21], [sflag:$0x2] =	stream.indirect.gather [hbm4b:s1+s19], $0x80, s0, s19, $0xb8;
	[tilespmem:$0x1FB80] =	vst v63  }
0xaa: {  	_ =	swait.ge [sflag:s22], $0x4000  }
0xab: {  	[sflag:s22] =	ssyncset.done $0x0  }
0xac: {  	[sflag:s22] =	ssyncadd.s32 $0xFFFFC000  }
0xad: {  	[spmem:s3] =	stream.indirect.scatter.add.f32 [tilespmem:s20], [sflag:$0x3], $0x80, s8, s19, $0xb8;
	[tilespmem:$0x1FB80] =	vst v63  }
0xae: {  	_ = 	snop  }
0xaf: {  	[spmem:s4] =	stream.indirect.scatter.add.f32 [tilespmem:s17], [sflag:$0x5], $0x10, s8, s19, $0xb8;
	[tilespmem:$0x1FB80] =	vst v63  }
0xb0: {  	_ =	swait.ge [sflag:s23], $0x4000  }
0xb1: {  	[sflag:s23] =	ssyncset.done $0x0  }
0xb2: {  	[sflag:s23] =	ssyncadd.s32 $0xFFFFC000  }
0xb3: {  	[spmem:s3] =	stream.indirect.scatter.add.f32 [tilespmem:s21], [sflag:$0x4], $0x80, s11, s19, $0xb8;
	[tilespmem:$0x1FB80] =	vst v63  }
0xb4: {  	_ = 	snop  }
0xb5: {  	[spmem:s4] =	stream.indirect.scatter.add.f32 [tilespmem:s17], [sflag:$0x6], $0x10, s11, s19, $0xb8;
	[tilespmem:$0x1FB80] =	vst v63  }
0xb6: {  	_ =	swait.ge [sflag:s25], $0x4000  }
0xb7: {  	[sflag:s25] =	ssyncset.done $0x0  }
0xb8: {  	[sflag:s25] =	ssyncadd.s32 $0xFFFFC000  }
0xb9: {  	_ =	swait.ge [sflag:s26], $0x800  }
0xba: {  	[sflag:s26] =	ssyncset.done $0x0  }
0xbb: {  	s0 =	rddreg [dreg:$0xf];
	[sflag:s26] =	ssyncadd.s32 $0xFFFFF800  }
0xbc: {  	[tilespmem:s20], [sflag:$0x1] =	stream.indirect.gather [hbm4b:s1+s19], $0x80, s0, s19, $0xb8;
	[tilespmem:$0x1FB80] =	vst v63  }
0xbd: {  	_ =	swait.ge [sflag:s28], $0x4000  }
0xbe: {  	[sflag:s28] =	ssyncset.done $0x0  }
0xbf: {  	[sflag:s28] =	ssyncadd.s32 $0xFFFFC000  }
0xc0: {  	_ =	swait.ge [sflag:s29], $0x800  }
0xc1: {  	[sflag:s29] =	ssyncset.done $0x0  }
0xc2: {  	s0 =	rddreg [dreg:$0x10];
	[sflag:s29] =	ssyncadd.s32 $0xFFFFF800  }
0xc3: {  	[tilespmem:s21], [sflag:$0x2] =	stream.indirect.gather [hbm4b:s1+s19], $0x80, s0, s19, $0xb8;
	[tilespmem:$0x1FB80] =	vst v63  }
0xc4: {  	_ =	swait.ge [sflag:s22], $0x4000  }
0xc5: {  	[sflag:s22] =	ssyncset.done $0x0  }
0xc6: {  	[sflag:s22] =	ssyncadd.s32 $0xFFFFC000  }
0xc7: {  	[spmem:s3] =	stream.indirect.scatter.add.f32 [tilespmem:s20], [sflag:$0x3], $0x80, s12, s19, $0xb8;
	[tilespmem:$0x1FB80] =	vst v63  }
0xc8: {  	_ = 	snop  }
0xc9: {  	[spmem:s4] =	stream.indirect.scatter.add.f32 [tilespmem:s17], [sflag:$0x5], $0x10, s12, s19, $0xb8;
	[tilespmem:$0x1FB80] =	vst v63  }
0xca: {  	_ =	swait.ge [sflag:s23], $0x4000  }
0xcb: {  	[sflag:s23] =	ssyncset.done $0x0  }
0xcc: {  	[sflag:s23] =	ssyncadd.s32 $0xFFFFC000  }
0xcd: {  	[spmem:s3] =	stream.indirect.scatter.add.f32 [tilespmem:s21], [sflag:$0x4], $0x80, s13, s19, $0xb8;
	[tilespmem:$0x1FB80] =	vst v63  }
0xce: {  	_ = 	snop  }
0xcf: {  	[spmem:s4] =	stream.indirect.scatter.add.f32 [tilespmem:s17], [sflag:$0x6], $0x10, s13, s19, $0xb8;
	[tilespmem:$0x1FB80] =	vst v63  }
0xd0: {  	_ =	swait.ge [sflag:s25], $0x4000  }
0xd1: {  	[sflag:s25] =	ssyncset.done $0x0  }
0xd2: {  	[sflag:s25] =	ssyncadd.s32 $0xFFFFC000  }
0xd3: {  	_ =	swait.ge [sflag:s26], $0x800  }
0xd4: {  	[sflag:s26] =	ssyncset.done $0x0  }
0xd5: {  	s0 =	rddreg [dreg:$0x11];
	[sflag:s26] =	ssyncadd.s32 $0xFFFFF800  }
0xd6: {  	[tilespmem:s20], [sflag:$0x1] =	stream.indirect.gather [hbm4b:s1+s19], $0x80, s0, s19, $0xb8;
	[tilespmem:$0x1FB80] =	vst v63  }
0xd7: {  	_ =	swait.ge [sflag:s28], $0x4000  }
0xd8: {  	[sflag:s28] =	ssyncset.done $0x0  }
0xd9: {  	[sflag:s28] =	ssyncadd.s32 $0xFFFFC000  }
0xda: {  	_ =	swait.ge [sflag:s29], $0x800  }
0xdb: {  	[sflag:s29] =	ssyncset.done $0x0  }
0xdc: {  	s0 =	rddreg [dreg:$0x12];
	[sflag:s29] =	ssyncadd.s32 $0xFFFFF800  }
0xdd: {  	[tilespmem:s21], [sflag:$0x2] =	stream.indirect.gather [hbm4b:s1+s19], $0x80, s0, s19, $0xb8;
	[tilespmem:$0x1FB80] =	vst v63  }
0xde: {  	_ =	swait.ge [sflag:s22], $0x4000  }
0xdf: {  	[sflag:s22] =	ssyncset.done $0x0  }
0xe0: {  	[sflag:s22] =	ssyncadd.s32 $0xFFFFC000  }
0xe1: {  	[spmem:s3] =	stream.indirect.scatter.add.f32 [tilespmem:s20], [sflag:$0x3], $0x80, s16, s19, $0xb8;
	[tilespmem:$0x1FB80] =	vst v63  }
0xe2: {  	_ = 	snop  }
0xe3: {  	[spmem:s4] =	stream.indirect.scatter.add.f32 [tilespmem:s17], [sflag:$0x5], $0x10, s16, s19, $0xb8;
	[tilespmem:$0x1FB80] =	vst v63  }
0xe4: {  	_ =	swait.ge [sflag:s23], $0x4000  }
0xe5: {  	[sflag:s23] =	ssyncset.done $0x0  }
0xe6: {  	[sflag:s23] =	ssyncadd.s32 $0xFFFFC000  }
0xe7: {  	[spmem:s3] =	stream.indirect.scatter.add.f32 [tilespmem:s21], [sflag:$0x4], $0x80, s10, s19, $0xb8;
	[tilespmem:$0x1FB80] =	vst v63  }
0xe8: {  	_ = 	snop  }
0xe9: {  	[spmem:s4] =	stream.indirect.scatter.add.f32 [tilespmem:s17], [sflag:$0x6], $0x10, s10, s19, $0xb8;
	[tilespmem:$0x1FB80] =	vst v63  }
0xea: {  	_ =	swait.ge [sflag:s25], $0x4000  }
0xeb: {  	[sflag:s25] =	ssyncset.done $0x0  }
0xec: {  	[sflag:s25] =	ssyncadd.s32 $0xFFFFC000  }
0xed: {  	_ =	swait.ge [sflag:s26], $0x800  }
0xee: {  	[sflag:s26] =	ssyncset.done $0x0  }
0xef: {  	s0 =	rddreg [dreg:$0x13];
	[sflag:s26] =	ssyncadd.s32 $0xFFFFF800  }
0xf0: {  	[tilespmem:s20], [sflag:$0x1] =	stream.indirect.gather [hbm4b:s1+s19], $0x80, s0, s19, $0xb8;
	[tilespmem:$0x1FB80] =	vst v63  }
0xf1: {  	_ =	swait.ge [sflag:s28], $0x4000  }
0xf2: {  	[sflag:s28] =	ssyncset.done $0x0  }
0xf3: {  	[sflag:s28] =	ssyncadd.s32 $0xFFFFC000  }
0xf4: {  	_ =	swait.ge [sflag:s29], $0x800  }
0xf5: {  	[sflag:s29] =	ssyncset.done $0x0  }
0xf6: {  	s0 =	rddreg [dreg:$0x14];
	[sflag:s29] =	ssyncadd.s32 $0xFFFFF800  }
0xf7: {  	[tilespmem:s21], [sflag:$0x2] =	stream.indirect.gather [hbm4b:s1+s19], $0x80, s0, s19, $0xb8;
	[tilespmem:$0x1FB80] =	vst v63  }
0xf8: {  	_ =	swait.ge [sflag:s22], $0x4000  }
0xf9: {  	[sflag:s22] =	ssyncset.done $0x0  }
0xfa: {  	[sflag:s22] =	ssyncadd.s32 $0xFFFFC000  }
0xfb: {  	[spmem:s3] =	stream.indirect.scatter.add.f32 [tilespmem:s20], [sflag:$0x3], $0x80, s14, s19, $0xb8;
	[tilespmem:$0x1FB80] =	vst v63  }
0xfc: {  	_ = 	snop  }
0xfd: {  	[spmem:s4] =	stream.indirect.scatter.add.f32 [tilespmem:s17], [sflag:$0x5], $0x10, s14, s19, $0xb8;
	[tilespmem:$0x1FB80] =	vst v63  }
0xfe: {  	_ =	swait.ge [sflag:s23], $0x4000  }
0xff: {  	[sflag:s23] =	ssyncset.done $0x0  }
0x100: {  	[sflag:s23] =	ssyncadd.s32 $0xFFFFC000  }
0x101: {  	[spmem:s3] =	stream.indirect.scatter.add.f32 [tilespmem:s21], [sflag:$0x4], $0x80, s9, s19, $0xb8;
	[tilespmem:$0x1FB80] =	vst v63  }
0x102: {  	_ = 	snop  }
0x103: {  	[spmem:s4] =	stream.indirect.scatter.add.f32 [tilespmem:s17], [sflag:$0x6], $0x10, s9, s19, $0xb8;
	[tilespmem:$0x1FB80] =	vst v63  }
0x104: {  	_ =	swait.ge [sflag:s25], $0x4000  }
0x105: {  	[sflag:s25] =	ssyncset.done $0x0  }
0x106: {  	[sflag:s25] =	ssyncadd.s32 $0xFFFFC000  }
0x107: {  	_ =	swait.ge [sflag:s26], $0x800  }
0x108: {  	[sflag:s26] =	ssyncset.done $0x0  }
0x109: {  	[sflag:s26] =	ssyncadd.s32 $0xFFFFF800  }
0x10a: {  	_ =	swait.ge [sflag:s28], $0x4000  }
0x10b: {  	[sflag:s28] =	ssyncset.done $0x0  }
0x10c: {  	[sflag:s28] =	ssyncadd.s32 $0xFFFFC000  }
0x10d: {  	s30 =	simm.s32 $0x200;
	_ =	swait.ge [sflag:s29], $0x800  }
0x10e: {  	s24 =	simm.s32 $0x100;
	s31 =	rddreg [dreg:$0x5];
	[sflag:s29] =	ssyncset.done $0x0  }
.LBB2_2:
0x10f: {  	[sflag:s29] =	ssyncadd.s32 $0xFFFFF800;
	s31 =	sadd.s32 s24, s31  }
0x110: {  	[tilespmem:s5], [sflag:$0x7] =	stream.linear.gather [hbm4b:s31+s5], $0x800, $0x38;
	[tilespmem:$0x1FB80] =	vst v63  }
0x111: {  	_ =	swait.ge [sflag:s15], $0x800  }
0x112: {  	s31 =	rddreg [dreg:$0x6];
	[sflag:s15] =	ssyncset.done $0x0  }
0x113: {  	[sflag:s15] =	ssyncadd.s32 $0xFFFFF800;
	s31 =	sadd.s32 s24, s31  }
0x114: {  	[tilespmem:s18], [sflag:$0x7] =	stream.linear.gather [hbm4b:s31+s5], $0x800, $0x38;
	[tilespmem:$0x1FB80] =	vst v63  }
0x115: {  	_ =	swait.ge [sflag:s15], $0x800  }
0x116: {  	[sflag:s15] =	ssyncset.done $0x0  }
0x117: {  	[sflag:s15] =	ssyncadd.s32 $0xFFFFF800  }
0x118: {  	[tilespmem:s20], [sflag:$0x1] =	stream.indirect.gather [hbm4b:s1+s19], $0x80, s5, s19, $0xb8;
	[tilespmem:$0x1FB80] =	vst v63  }
0x119: {  	_ = 	snop  }
0x11a: {  	[tilespmem:s21], [sflag:$0x2] =	stream.indirect.gather [hbm4b:s1+s19], $0x80, s19, s19, $0xb8;
	[tilespmem:$0x1FB80] =	vst v63  }
0x11b: {  	_ =	swait.ge [sflag:s22], $0x4000  }
0x11c: {  	[sflag:s22] =	ssyncset.done $0x0  }
0x11d: {  	[sflag:s22] =	ssyncadd.s32 $0xFFFFC000  }
0x11e: {  	[spmem:s3] =	stream.indirect.scatter.add.f32 [tilespmem:s20], [sflag:$0x3], $0x80, s18, s19, $0xb8;
	[tilespmem:$0x1FB80] =	vst v63  }
0x11f: {  	_ = 	snop  }
0x120: {  	[spmem:s4] =	stream.indirect.scatter.add.f32 [tilespmem:s17], [sflag:$0x5], $0x10, s18, s19, $0xb8;
	[tilespmem:$0x1FB80] =	vst v63  }
0x121: {  	_ =	swait.ge [sflag:s23], $0x4000  }
0x122: {  	s0 =	smov.u32 s30;
	[sflag:s23] =	ssyncset.done $0x0  }
0x123: {  	s24 =	smov.u32 s0;
	s0 =	simm.s32 $0x880;
	[sflag:s23] =	ssyncadd.s32 $0xFFFFC000  }
0x124: {  	[spmem:s3] =	stream.indirect.scatter.add.f32 [tilespmem:s21], [sflag:$0x4], $0x80, s0, s19, $0xb8;
	[tilespmem:$0x1FB80] =	vst v63  }
0x125: {  	_ = 	snop  }
0x126: {  	[spmem:s4] =	stream.indirect.scatter.add.f32 [tilespmem:s17], [sflag:$0x6], $0x10, s0, s19, $0xb8;
	[tilespmem:$0x1FB80] =	vst v63  }
0x127: {  	_ =	swait.ge [sflag:s25], $0x4000  }
0x128: {  	[sflag:s25] =	ssyncset.done $0x0  }
0x129: {  	[sflag:s25] =	ssyncadd.s32 $0xFFFFC000  }
0x12a: {  	_ =	swait.ge [sflag:s26], $0x800  }
0x12b: {  	[sflag:s26] =	ssyncset.done $0x0  }
0x12c: {  	s0 =	rddreg [dreg:$0x7];
	[sflag:s26] =	ssyncadd.s32 $0xFFFFF800  }
0x12d: {  	[tilespmem:s20], [sflag:$0x1] =	stream.indirect.gather [hbm4b:s1+s19], $0x80, s0, s19, $0xb8;
	[tilespmem:$0x1FB80] =	vst v63  }
0x12e: {  	_ =	swait.ge [sflag:s28], $0x4000  }
0x12f: {  	[sflag:s28] =	ssyncset.done $0x0  }
0x130: {  	[sflag:s28] =	ssyncadd.s32 $0xFFFFC000  }
0x131: {  	_ =	swait.ge [sflag:s29], $0x800  }
0x132: {  	[sflag:s29] =	ssyncset.done $0x0  }
0x133: {  	s0 =	rddreg [dreg:$0x8];
	[sflag:s29] =	ssyncadd.s32 $0xFFFFF800  }
0x134: {  	[tilespmem:s21], [sflag:$0x2] =	stream.indirect.gather [hbm4b:s1+s19], $0x80, s0, s19, $0xb8;
	[tilespmem:$0x1FB80] =	vst v63  }
0x135: {  	_ =	swait.ge [sflag:s22], $0x4000  }
0x136: {  	[sflag:s22] =	ssyncset.done $0x0  }
0x137: {  	s0 =	simm.s32 $0x900;
	[sflag:s22] =	ssyncadd.s32 $0xFFFFC000  }
0x138: {  	[spmem:s3] =	stream.indirect.scatter.add.f32 [tilespmem:s20], [sflag:$0x3], $0x80, s0, s19, $0xb8;
	[tilespmem:$0x1FB80] =	vst v63  }
0x139: {  	_ = 	snop  }
0x13a: {  	[spmem:s4] =	stream.indirect.scatter.add.f32 [tilespmem:s17], [sflag:$0x5], $0x10, s0, s19, $0xb8;
	[tilespmem:$0x1FB80] =	vst v63  }
0x13b: {  	_ =	swait.ge [sflag:s23], $0x4000  }
0x13c: {  	[sflag:s23] =	ssyncset.done $0x0  }
0x13d: {  	s0 =	simm.s32 $0x980;
	[sflag:s23] =	ssyncadd.s32 $0xFFFFC000  }
0x13e: {  	[spmem:s3] =	stream.indirect.scatter.add.f32 [tilespmem:s21], [sflag:$0x4], $0x80, s0, s19, $0xb8;
	[tilespmem:$0x1FB80] =	vst v63  }
0x13f: {  	_ = 	snop  }
0x140: {  	[spmem:s4] =	stream.indirect.scatter.add.f32 [tilespmem:s17], [sflag:$0x6], $0x10, s0, s19, $0xb8;
	[tilespmem:$0x1FB80] =	vst v63  }
0x141: {  	_ =	swait.ge [sflag:s25], $0x4000  }
0x142: {  	[sflag:s25] =	ssyncset.done $0x0  }
0x143: {  	[sflag:s25] =	ssyncadd.s32 $0xFFFFC000  }
0x144: {  	_ =	swait.ge [sflag:s26], $0x800  }
0x145: {  	[sflag:s26] =	ssyncset.done $0x0  }
0x146: {  	s0 =	rddreg [dreg:$0x9];
	[sflag:s26] =	ssyncadd.s32 $0xFFFFF800  }
0x147: {  	[tilespmem:s20], [sflag:$0x1] =	stream.indirect.gather [hbm4b:s1+s19], $0x80, s0, s19, $0xb8;
	[tilespmem:$0x1FB80] =	vst v63  }
0x148: {  	_ =	swait.ge [sflag:s28], $0x4000  }
0x149: {  	[sflag:s28] =	ssyncset.done $0x0  }
0x14a: {  	[sflag:s28] =	ssyncadd.s32 $0xFFFFC000  }
0x14b: {  	_ =	swait.ge [sflag:s29], $0x800  }
0x14c: {  	[sflag:s29] =	ssyncset.done $0x0  }
0x14d: {  	s0 =	rddreg [dreg:$0xa];
	[sflag:s29] =	ssyncadd.s32 $0xFFFFF800  }
0x14e: {  	[tilespmem:s21], [sflag:$0x2] =	stream.indirect.gather [hbm4b:s1+s19], $0x80, s0, s19, $0xb8;
	[tilespmem:$0x1FB80] =	vst v63  }
0x14f: {  	_ =	swait.ge [sflag:s22], $0x4000  }
0x150: {  	[sflag:s22] =	ssyncset.done $0x0  }
0x151: {  	s0 =	simm.s32 $0xA00;
	[sflag:s22] =	ssyncadd.s32 $0xFFFFC000  }
0x152: {  	[spmem:s3] =	stream.indirect.scatter.add.f32 [tilespmem:s20], [sflag:$0x3], $0x80, s0, s19, $0xb8;
	[tilespmem:$0x1FB80] =	vst v63  }
0x153: {  	_ = 	snop  }
0x154: {  	[spmem:s4] =	stream.indirect.scatter.add.f32 [tilespmem:s17], [sflag:$0x5], $0x10, s0, s19, $0xb8;
	[tilespmem:$0x1FB80] =	vst v63  }
0x155: {  	_ =	swait.ge [sflag:s23], $0x4000  }
0x156: {  	[sflag:s23] =	ssyncset.done $0x0  }
0x157: {  	[sflag:s23] =	ssyncadd.s32 $0xFFFFC000  }
0x158: {  	[spmem:s3] =	stream.indirect.scatter.add.f32 [tilespmem:s21], [sflag:$0x4], $0x80, s2, s19, $0xb8;
	[tilespmem:$0x1FB80] =	vst v63  }
0x159: {  	_ = 	snop  }
0x15a: {  	[spmem:s4] =	stream.indirect.scatter.add.f32 [tilespmem:s17], [sflag:$0x6], $0x10, s2, s19, $0xb8;
	[tilespmem:$0x1FB80] =	vst v63  }
0x15b: {  	_ =	swait.ge [sflag:s25], $0x4000  }
0x15c: {  	[sflag:s25] =	ssyncset.done $0x0  }
0x15d: {  	[sflag:s25] =	ssyncadd.s32 $0xFFFFC000  }
0x15e: {  	_ =	swait.ge [sflag:s26], $0x800  }
0x15f: {  	[sflag:s26] =	ssyncset.done $0x0  }
0x160: {  	s0 =	rddreg [dreg:$0xb];
	[sflag:s26] =	ssyncadd.s32 $0xFFFFF800  }
0x161: {  	[tilespmem:s20], [sflag:$0x1] =	stream.indirect.gather [hbm4b:s1+s19], $0x80, s0, s19, $0xb8;
	[tilespmem:$0x1FB80] =	vst v63  }
0x162: {  	_ =	swait.ge [sflag:s28], $0x4000  }
0x163: {  	[sflag:s28] =	ssyncset.done $0x0  }
0x164: {  	[sflag:s28] =	ssyncadd.s32 $0xFFFFC000  }
0x165: {  	_ =	swait.ge [sflag:s29], $0x800  }
0x166: {  	[sflag:s29] =	ssyncset.done $0x0  }
0x167: {  	s0 =	rddreg [dreg:$0xc];
	[sflag:s29] =	ssyncadd.s32 $0xFFFFF800  }
0x168: {  	[tilespmem:s21], [sflag:$0x2] =	stream.indirect.gather [hbm4b:s1+s19], $0x80, s0, s19, $0xb8;
	[tilespmem:$0x1FB80] =	vst v63  }
0x169: {  	_ =	swait.ge [sflag:s22], $0x4000  }
0x16a: {  	[sflag:s22] =	ssyncset.done $0x0  }
0x16b: {  	[sflag:s22] =	ssyncadd.s32 $0xFFFFC000  }
0x16c: {  	[spmem:s3] =	stream.indirect.scatter.add.f32 [tilespmem:s20], [sflag:$0x3], $0x80, s6, s19, $0xb8;
	[tilespmem:$0x1FB80] =	vst v63  }
0x16d: {  	_ = 	snop  }
0x16e: {  	[spmem:s4] =	stream.indirect.scatter.add.f32 [tilespmem:s17], [sflag:$0x5], $0x10, s6, s19, $0xb8;
	[tilespmem:$0x1FB80] =	vst v63  }
0x16f: {  	_ =	swait.ge [sflag:s23], $0x4000  }
0x170: {  	[sflag:s23] =	ssyncset.done $0x0  }
0x171: {  	[sflag:s23] =	ssyncadd.s32 $0xFFFFC000  }
0x172: {  	[spmem:s3] =	stream.indirect.scatter.add.f32 [tilespmem:s21], [sflag:$0x4], $0x80, s7, s19, $0xb8;
	[tilespmem:$0x1FB80] =	vst v63  }
0x173: {  	_ = 	snop  }
0x174: {  	[spmem:s4] =	stream.indirect.scatter.add.f32 [tilespmem:s17], [sflag:$0x6], $0x10, s7, s19, $0xb8;
	[tilespmem:$0x1FB80] =	vst v63  }
0x175: {  	_ =	swait.ge [sflag:s25], $0x4000  }
0x176: {  	[sflag:s25] =	ssyncset.done $0x0  }
0x177: {  	[sflag:s25] =	ssyncadd.s32 $0xFFFFC000  }
0x178: {  	_ =	swait.ge [sflag:s26], $0x800  }
0x179: {  	[sflag:s26] =	ssyncset.done $0x0  }
0x17a: {  	s0 =	rddreg [dreg:$0xd];
	[sflag:s26] =	ssyncadd.s32 $0xFFFFF800  }
0x17b: {  	[tilespmem:s20], [sflag:$0x1] =	stream.indirect.gather [hbm4b:s1+s19], $0x80, s0, s19, $0xb8;
	[tilespmem:$0x1FB80] =	vst v63  }
0x17c: {  	_ =	swait.ge [sflag:s28], $0x4000  }
0x17d: {  	[sflag:s28] =	ssyncset.done $0x0  }
0x17e: {  	[sflag:s28] =	ssyncadd.s32 $0xFFFFC000  }
0x17f: {  	_ =	swait.ge [sflag:s29], $0x800  }
0x180: {  	[sflag:s29] =	ssyncset.done $0x0  }
0x181: {  	s0 =	rddreg [dreg:$0xe];
	[sflag:s29] =	ssyncadd.s32 $0xFFFFF800  }
0x182: {  	[tilespmem:s21], [sflag:$0x2] =	stream.indirect.gather [hbm4b:s1+s19], $0x80, s0, s19, $0xb8;
	[tilespmem:$0x1FB80] =	vst v63  }
0x183: {  	_ =	swait.ge [sflag:s22], $0x4000  }
0x184: {  	[sflag:s22] =	ssyncset.done $0x0  }
0x185: {  	[sflag:s22] =	ssyncadd.s32 $0xFFFFC000  }
0x186: {  	[spmem:s3] =	stream.indirect.scatter.add.f32 [tilespmem:s20], [sflag:$0x3], $0x80, s8, s19, $0xb8;
	[tilespmem:$0x1FB80] =	vst v63  }
0x187: {  	_ = 	snop  }
0x188: {  	[spmem:s4] =	stream.indirect.scatter.add.f32 [tilespmem:s17], [sflag:$0x5], $0x10, s8, s19, $0xb8;
	[tilespmem:$0x1FB80] =	vst v63  }
0x189: {  	_ =	swait.ge [sflag:s23], $0x4000  }
0x18a: {  	[sflag:s23] =	ssyncset.done $0x0  }
0x18b: {  	[sflag:s23] =	ssyncadd.s32 $0xFFFFC000  }
0x18c: {  	[spmem:s3] =	stream.indirect.scatter.add.f32 [tilespmem:s21], [sflag:$0x4], $0x80, s11, s19, $0xb8;
	[tilespmem:$0x1FB80] =	vst v63  }
0x18d: {  	_ = 	snop  }
0x18e: {  	[spmem:s4] =	stream.indirect.scatter.add.f32 [tilespmem:s17], [sflag:$0x6], $0x10, s11, s19, $0xb8;
	[tilespmem:$0x1FB80] =	vst v63  }
0x18f: {  	_ =	swait.ge [sflag:s25], $0x4000  }
0x190: {  	[sflag:s25] =	ssyncset.done $0x0  }
0x191: {  	[sflag:s25] =	ssyncadd.s32 $0xFFFFC000  }
0x192: {  	_ =	swait.ge [sflag:s26], $0x800  }
0x193: {  	[sflag:s26] =	ssyncset.done $0x0  }
0x194: {  	s0 =	rddreg [dreg:$0xf];
	[sflag:s26] =	ssyncadd.s32 $0xFFFFF800  }
0x195: {  	[tilespmem:s20], [sflag:$0x1] =	stream.indirect.gather [hbm4b:s1+s19], $0x80, s0, s19, $0xb8;
	[tilespmem:$0x1FB80] =	vst v63  }
0x196: {  	_ =	swait.ge [sflag:s28], $0x4000  }
0x197: {  	[sflag:s28] =	ssyncset.done $0x0  }
0x198: {  	[sflag:s28] =	ssyncadd.s32 $0xFFFFC000  }
0x199: {  	_ =	swait.ge [sflag:s29], $0x800  }
0x19a: {  	[sflag:s29] =	ssyncset.done $0x0  }
0x19b: {  	s0 =	rddreg [dreg:$0x10];
	[sflag:s29] =	ssyncadd.s32 $0xFFFFF800  }
0x19c: {  	[tilespmem:s21], [sflag:$0x2] =	stream.indirect.gather [hbm4b:s1+s19], $0x80, s0, s19, $0xb8;
	[tilespmem:$0x1FB80] =	vst v63  }
0x19d: {  	_ =	swait.ge [sflag:s22], $0x4000  }
0x19e: {  	[sflag:s22] =	ssyncset.done $0x0  }
0x19f: {  	[sflag:s22] =	ssyncadd.s32 $0xFFFFC000  }
0x1a0: {  	[spmem:s3] =	stream.indirect.scatter.add.f32 [tilespmem:s20], [sflag:$0x3], $0x80, s12, s19, $0xb8;
	[tilespmem:$0x1FB80] =	vst v63  }
0x1a1: {  	_ = 	snop  }
0x1a2: {  	[spmem:s4] =	stream.indirect.scatter.add.f32 [tilespmem:s17], [sflag:$0x5], $0x10, s12, s19, $0xb8;
	[tilespmem:$0x1FB80] =	vst v63  }
0x1a3: {  	_ =	swait.ge [sflag:s23], $0x4000  }
0x1a4: {  	[sflag:s23] =	ssyncset.done $0x0  }
0x1a5: {  	[sflag:s23] =	ssyncadd.s32 $0xFFFFC000  }
0x1a6: {  	[spmem:s3] =	stream.indirect.scatter.add.f32 [tilespmem:s21], [sflag:$0x4], $0x80, s13, s19, $0xb8;
	[tilespmem:$0x1FB80] =	vst v63  }
0x1a7: {  	_ = 	snop  }
0x1a8: {  	[spmem:s4] =	stream.indirect.scatter.add.f32 [tilespmem:s17], [sflag:$0x6], $0x10, s13, s19, $0xb8;
	[tilespmem:$0x1FB80] =	vst v63  }
0x1a9: {  	_ =	swait.ge [sflag:s25], $0x4000  }
0x1aa: {  	[sflag:s25] =	ssyncset.done $0x0  }
0x1ab: {  	[sflag:s25] =	ssyncadd.s32 $0xFFFFC000  }
0x1ac: {  	_ =	swait.ge [sflag:s26], $0x800  }
0x1ad: {  	[sflag:s26] =	ssyncset.done $0x0  }
0x1ae: {  	s0 =	rddreg [dreg:$0x11];
	[sflag:s26] =	ssyncadd.s32 $0xFFFFF800  }
0x1af: {  	[tilespmem:s20], [sflag:$0x1] =	stream.indirect.gather [hbm4b:s1+s19], $0x80, s0, s19, $0xb8;
	[tilespmem:$0x1FB80] =	vst v63  }
0x1b0: {  	_ =	swait.ge [sflag:s28], $0x4000  }
0x1b1: {  	[sflag:s28] =	ssyncset.done $0x0  }
0x1b2: {  	[sflag:s28] =	ssyncadd.s32 $0xFFFFC000  }
0x1b3: {  	_ =	swait.ge [sflag:s29], $0x800  }
0x1b4: {  	[sflag:s29] =	ssyncset.done $0x0  }
0x1b5: {  	s0 =	rddreg [dreg:$0x12];
	[sflag:s29] =	ssyncadd.s32 $0xFFFFF800  }
0x1b6: {  	[tilespmem:s21], [sflag:$0x2] =	stream.indirect.gather [hbm4b:s1+s19], $0x80, s0, s19, $0xb8;
	[tilespmem:$0x1FB80] =	vst v63  }
0x1b7: {  	_ =	swait.ge [sflag:s22], $0x4000  }
0x1b8: {  	[sflag:s22] =	ssyncset.done $0x0  }
0x1b9: {  	[sflag:s22] =	ssyncadd.s32 $0xFFFFC000  }
0x1ba: {  	[spmem:s3] =	stream.indirect.scatter.add.f32 [tilespmem:s20], [sflag:$0x3], $0x80, s16, s19, $0xb8;
	[tilespmem:$0x1FB80] =	vst v63  }
0x1bb: {  	_ = 	snop  }
0x1bc: {  	[spmem:s4] =	stream.indirect.scatter.add.f32 [tilespmem:s17], [sflag:$0x5], $0x10, s16, s19, $0xb8;
	[tilespmem:$0x1FB80] =	vst v63  }
0x1bd: {  	_ =	swait.ge [sflag:s23], $0x4000  }
0x1be: {  	[sflag:s23] =	ssyncset.done $0x0  }
0x1bf: {  	[sflag:s23] =	ssyncadd.s32 $0xFFFFC000  }
0x1c0: {  	[spmem:s3] =	stream.indirect.scatter.add.f32 [tilespmem:s21], [sflag:$0x4], $0x80, s10, s19, $0xb8;
	[tilespmem:$0x1FB80] =	vst v63  }
0x1c1: {  	_ = 	snop  }
0x1c2: {  	[spmem:s4] =	stream.indirect.scatter.add.f32 [tilespmem:s17], [sflag:$0x6], $0x10, s10, s19, $0xb8;
	[tilespmem:$0x1FB80] =	vst v63  }
0x1c3: {  	_ =	swait.ge [sflag:s25], $0x4000  }
0x1c4: {  	[sflag:s25] =	ssyncset.done $0x0  }
0x1c5: {  	[sflag:s25] =	ssyncadd.s32 $0xFFFFC000  }
0x1c6: {  	_ =	swait.ge [sflag:s26], $0x800  }
0x1c7: {  	[sflag:s26] =	ssyncset.done $0x0  }
0x1c8: {  	s0 =	rddreg [dreg:$0x13];
	[sflag:s26] =	ssyncadd.s32 $0xFFFFF800  }
0x1c9: {  	[tilespmem:s20], [sflag:$0x1] =	stream.indirect.gather [hbm4b:s1+s19], $0x80, s0, s19, $0xb8;
	[tilespmem:$0x1FB80] =	vst v63  }
0x1ca: {  	_ =	swait.ge [sflag:s28], $0x4000  }
0x1cb: {  	[sflag:s28] =	ssyncset.done $0x0  }
0x1cc: {  	[sflag:s28] =	ssyncadd.s32 $0xFFFFC000  }
0x1cd: {  	_ =	swait.ge [sflag:s29], $0x800  }
0x1ce: {  	[sflag:s29] =	ssyncset.done $0x0  }
0x1cf: {  	s0 =	rddreg [dreg:$0x14];
	[sflag:s29] =	ssyncadd.s32 $0xFFFFF800  }
0x1d0: {  	[tilespmem:s21], [sflag:$0x2] =	stream.indirect.gather [hbm4b:s1+s19], $0x80, s0, s19, $0xb8;
	[tilespmem:$0x1FB80] =	vst v63  }
0x1d1: {  	_ =	swait.ge [sflag:s22], $0x4000  }
0x1d2: {  	[sflag:s22] =	ssyncset.done $0x0  }
0x1d3: {  	[sflag:s22] =	ssyncadd.s32 $0xFFFFC000  }
0x1d4: {  	[spmem:s3] =	stream.indirect.scatter.add.f32 [tilespmem:s20], [sflag:$0x3], $0x80, s14, s19, $0xb8;
	[tilespmem:$0x1FB80] =	vst v63  }
0x1d5: {  	_ = 	snop  }
0x1d6: {  	[spmem:s4] =	stream.indirect.scatter.add.f32 [tilespmem:s17], [sflag:$0x5], $0x10, s14, s19, $0xb8;
	[tilespmem:$0x1FB80] =	vst v63  }
0x1d7: {  	_ =	swait.ge [sflag:s23], $0x4000  }
0x1d8: {  	[sflag:s23] =	ssyncset.done $0x0  }
0x1d9: {  	[sflag:s23] =	ssyncadd.s32 $0xFFFFC000  }
0x1da: {  	[spmem:s3] =	stream.indirect.scatter.add.f32 [tilespmem:s21], [sflag:$0x4], $0x80, s9, s19, $0xb8;
	[tilespmem:$0x1FB80] =	vst v63  }
0x1db: {  	_ = 	snop  }
0x1dc: {  	[spmem:s4] =	stream.indirect.scatter.add.f32 [tilespmem:s17], [sflag:$0x6], $0x10, s9, s19, $0xb8;
	[tilespmem:$0x1FB80] =	vst v63  }
0x1dd: {  	_ =	swait.ge [sflag:s25], $0x4000  }
0x1de: {  	[sflag:s25] =	ssyncset.done $0x0  }
0x1df: {  	[sflag:s25] =	ssyncadd.s32 $0xFFFFC000  }
0x1e0: {  	_ =	swait.ge [sflag:s26], $0x800  }
0x1e1: {  	[sflag:s26] =	ssyncset.done $0x0  }
0x1e2: {  	p1 =	sne.s32 s30, $0x400;
	[sflag:s26] =	ssyncadd.s32 $0xFFFFF800  }
.Ltmp0:
0x1e3: {  	_ =	swait.ge [sflag:s28], $0x4000;
	(pc) =	sbr.rel @p1 .LBB2_2-.Ltmp0, $4  }
0x1e4: {  	[sflag:s28] =	ssyncset.done $0x0  }
0x1e5: {  	[sflag:s28] =	ssyncadd.s32 $0xFFFFC000  }
0x1e6: {  	_ =	swait.ge [sflag:s29], $0x800  }
0x1e7: {  	s30 =	sadd.s32 $0x100, s30;
	s31 =	rddreg [dreg:$0x5];
	[sflag:s29] =	ssyncset.done $0x0  }
0x1e8: {  	[sflag:s29] =	ssyncadd.s32 $0xFFFFF800;
	s0 =	sadd.s32 s24, s31  }
0x1e9: {  	[tilespmem:s5], [sflag:$0x7] =	stream.linear.gather [hbm4b:s0+s5], $0x800, $0x38;
	[tilespmem:$0x1FB80] =	vst v63  }
0x1ea: {  	_ =	swait.ge [sflag:s15], $0x800  }
0x1eb: {  	s30 =	rddreg [dreg:$0x6];
	[sflag:s15] =	ssyncset.done $0x0  }
0x1ec: {  	s0 =	sadd.s32 s24, s30;
	[sflag:s15] =	ssyncadd.s32 $0xFFFFF800  }
0x1ed: {  	[tilespmem:s18], [sflag:$0x7] =	stream.linear.gather [hbm4b:s0+s5], $0x800, $0x38;
	[tilespmem:$0x1FB80] =	vst v63  }
0x1ee: {  	_ =	swait.ge [sflag:s15], $0x800  }
0x1ef: {  	[sflag:s15] =	ssyncset.done $0x0  }
0x1f0: {  	[sflag:s15] =	ssyncadd.s32 $0xFFFFF800  }
0x1f1: {  	[tilespmem:s20], [sflag:$0x1] =	stream.indirect.gather [hbm4b:s1+s19], $0x80, s5, s19, $0xb8;
	[tilespmem:$0x1FB80] =	vst v63  }
0x1f2: {  	_ = 	snop  }
0x1f3: {  	[tilespmem:s21], [sflag:$0x2] =	stream.indirect.gather [hbm4b:s1+s19], $0x80, s19, s19, $0xb8;
	[tilespmem:$0x1FB80] =	vst v63  }
0x1f4: {  	_ =	swait.ge [sflag:s22], $0x4000  }
0x1f5: {  	[sflag:s22] =	ssyncset.done $0x0  }
0x1f6: {  	[sflag:s22] =	ssyncadd.s32 $0xFFFFC000  }
0x1f7: {  	[spmem:s3] =	stream.indirect.scatter.add.f32 [tilespmem:s20], [sflag:$0x3], $0x80, s18, s19, $0xb8;
	[tilespmem:$0x1FB80] =	vst v63  }
0x1f8: {  	_ = 	snop  }
0x1f9: {  	[spmem:s4] =	stream.indirect.scatter.add.f32 [tilespmem:s17], [sflag:$0x5], $0x10, s18, s19, $0xb8;
	[tilespmem:$0x1FB80] =	vst v63  }
0x1fa: {  	_ =	swait.ge [sflag:s23], $0x4000  }
0x1fb: {  	[sflag:s23] =	ssyncset.done $0x0  }
0x1fc: {  	s30 =	simm.s32 $0x880;
	[sflag:s23] =	ssyncadd.s32 $0xFFFFC000  }
0x1fd: {  	[spmem:s3] =	stream.indirect.scatter.add.f32 [tilespmem:s21], [sflag:$0x4], $0x80, s30, s19, $0xb8;
	[tilespmem:$0x1FB80] =	vst v63  }
0x1fe: {  	_ = 	snop  }
0x1ff: {  	[spmem:s4] =	stream.indirect.scatter.add.f32 [tilespmem:s17], [sflag:$0x6], $0x10, s30, s19, $0xb8;
	[tilespmem:$0x1FB80] =	vst v63  }
0x200: {  	_ =	swait.ge [sflag:s25], $0x4000  }
0x201: {  	[sflag:s25] =	ssyncset.done $0x0  }
0x202: {  	[sflag:s25] =	ssyncadd.s32 $0xFFFFC000  }
0x203: {  	_ =	swait.ge [sflag:s26], $0x800  }
0x204: {  	[sflag:s26] =	ssyncset.done $0x0  }
0x205: {  	s24 =	rddreg [dreg:$0x7];
	[sflag:s26] =	ssyncadd.s32 $0xFFFFF800  }
0x206: {  	[tilespmem:s20], [sflag:$0x1] =	stream.indirect.gather [hbm4b:s1+s19], $0x80, s24, s19, $0xb8;
	[tilespmem:$0x1FB80] =	vst v63  }
0x207: {  	_ =	swait.ge [sflag:s28], $0x4000  }
0x208: {  	[sflag:s28] =	ssyncset.done $0x0  }
0x209: {  	[sflag:s28] =	ssyncadd.s32 $0xFFFFC000  }
0x20a: {  	_ =	swait.ge [sflag:s29], $0x800  }
0x20b: {  	[sflag:s29] =	ssyncset.done $0x0  }
0x20c: {  	s30 =	rddreg [dreg:$0x8];
	[sflag:s29] =	ssyncadd.s32 $0xFFFFF800  }
0x20d: {  	[tilespmem:s21], [sflag:$0x2] =	stream.indirect.gather [hbm4b:s1+s19], $0x80, s30, s19, $0xb8;
	[tilespmem:$0x1FB80] =	vst v63  }
0x20e: {  	_ =	swait.ge [sflag:s22], $0x4000  }
0x20f: {  	[sflag:s22] =	ssyncset.done $0x0  }
0x210: {  	s24 =	simm.s32 $0x900;
	[sflag:s22] =	ssyncadd.s32 $0xFFFFC000  }
0x211: {  	[spmem:s3] =	stream.indirect.scatter.add.f32 [tilespmem:s20], [sflag:$0x3], $0x80, s24, s19, $0xb8;
	[tilespmem:$0x1FB80] =	vst v63  }
0x212: {  	_ = 	snop  }
0x213: {  	[spmem:s4] =	stream.indirect.scatter.add.f32 [tilespmem:s17], [sflag:$0x5], $0x10, s24, s19, $0xb8;
	[tilespmem:$0x1FB80] =	vst v63  }
0x214: {  	_ =	swait.ge [sflag:s23], $0x4000  }
0x215: {  	[sflag:s23] =	ssyncset.done $0x0  }
0x216: {  	s30 =	simm.s32 $0x980;
	[sflag:s23] =	ssyncadd.s32 $0xFFFFC000  }
0x217: {  	[spmem:s3] =	stream.indirect.scatter.add.f32 [tilespmem:s21], [sflag:$0x4], $0x80, s30, s19, $0xb8;
	[tilespmem:$0x1FB80] =	vst v63  }
0x218: {  	_ = 	snop  }
0x219: {  	[spmem:s4] =	stream.indirect.scatter.add.f32 [tilespmem:s17], [sflag:$0x6], $0x10, s30, s19, $0xb8;
	[tilespmem:$0x1FB80] =	vst v63  }
0x21a: {  	_ =	swait.ge [sflag:s25], $0x4000  }
0x21b: {  	[sflag:s25] =	ssyncset.done $0x0  }
0x21c: {  	[sflag:s25] =	ssyncadd.s32 $0xFFFFC000  }
0x21d: {  	_ =	swait.ge [sflag:s26], $0x800  }
0x21e: {  	[sflag:s26] =	ssyncset.done $0x0  }
0x21f: {  	s24 =	rddreg [dreg:$0x9];
	[sflag:s26] =	ssyncadd.s32 $0xFFFFF800  }
0x220: {  	[tilespmem:s20], [sflag:$0x1] =	stream.indirect.gather [hbm4b:s1+s19], $0x80, s24, s19, $0xb8;
	[tilespmem:$0x1FB80] =	vst v63  }
0x221: {  	_ =	swait.ge [sflag:s28], $0x4000  }
0x222: {  	[sflag:s28] =	ssyncset.done $0x0  }
0x223: {  	[sflag:s28] =	ssyncadd.s32 $0xFFFFC000  }
0x224: {  	_ =	swait.ge [sflag:s29], $0x800  }
0x225: {  	[sflag:s29] =	ssyncset.done $0x0  }
0x226: {  	s30 =	rddreg [dreg:$0xa];
	[sflag:s29] =	ssyncadd.s32 $0xFFFFF800  }
0x227: {  	[tilespmem:s21], [sflag:$0x2] =	stream.indirect.gather [hbm4b:s1+s19], $0x80, s30, s19, $0xb8;
	[tilespmem:$0x1FB80] =	vst v63  }
0x228: {  	_ =	swait.ge [sflag:s22], $0x4000  }
0x229: {  	[sflag:s22] =	ssyncset.done $0x0  }
0x22a: {  	s24 =	simm.s32 $0xA00;
	[sflag:s22] =	ssyncadd.s32 $0xFFFFC000  }
0x22b: {  	[spmem:s3] =	stream.indirect.scatter.add.f32 [tilespmem:s20], [sflag:$0x3], $0x80, s24, s19, $0xb8;
	[tilespmem:$0x1FB80] =	vst v63  }
0x22c: {  	_ = 	snop  }
0x22d: {  	[spmem:s4] =	stream.indirect.scatter.add.f32 [tilespmem:s17], [sflag:$0x5], $0x10, s24, s19, $0xb8;
	[tilespmem:$0x1FB80] =	vst v63  }
0x22e: {  	_ =	swait.ge [sflag:s23], $0x4000  }
0x22f: {  	[sflag:s23] =	ssyncset.done $0x0  }
0x230: {  	[sflag:s23] =	ssyncadd.s32 $0xFFFFC000  }
0x231: {  	[spmem:s3] =	stream.indirect.scatter.add.f32 [tilespmem:s21], [sflag:$0x4], $0x80, s2, s19, $0xb8;
	[tilespmem:$0x1FB80] =	vst v63  }
0x232: {  	_ = 	snop  }
0x233: {  	[spmem:s4] =	stream.indirect.scatter.add.f32 [tilespmem:s17], [sflag:$0x6], $0x10, s2, s19, $0xb8;
	[tilespmem:$0x1FB80] =	vst v63  }
0x234: {  	_ =	swait.ge [sflag:s25], $0x4000  }
0x235: {  	[sflag:s25] =	ssyncset.done $0x0  }
0x236: {  	[sflag:s25] =	ssyncadd.s32 $0xFFFFC000  }
0x237: {  	_ =	swait.ge [sflag:s26], $0x800  }
0x238: {  	[sflag:s26] =	ssyncset.done $0x0  }
0x239: {  	s30 =	rddreg [dreg:$0xb];
	[sflag:s26] =	ssyncadd.s32 $0xFFFFF800  }
0x23a: {  	[tilespmem:s20], [sflag:$0x1] =	stream.indirect.gather [hbm4b:s1+s19], $0x80, s30, s19, $0xb8;
	[tilespmem:$0x1FB80] =	vst v63  }
0x23b: {  	_ =	swait.ge [sflag:s28], $0x4000  }
0x23c: {  	[sflag:s28] =	ssyncset.done $0x0  }
0x23d: {  	[sflag:s28] =	ssyncadd.s32 $0xFFFFC000  }
0x23e: {  	_ =	swait.ge [sflag:s29], $0x800  }
0x23f: {  	[sflag:s29] =	ssyncset.done $0x0  }
0x240: {  	s24 =	rddreg [dreg:$0xc];
	[sflag:s29] =	ssyncadd.s32 $0xFFFFF800  }
0x241: {  	[tilespmem:s21], [sflag:$0x2] =	stream.indirect.gather [hbm4b:s1+s19], $0x80, s24, s19, $0xb8;
	[tilespmem:$0x1FB80] =	vst v63  }
0x242: {  	_ =	swait.ge [sflag:s22], $0x4000  }
0x243: {  	[sflag:s22] =	ssyncset.done $0x0  }
0x244: {  	[sflag:s22] =	ssyncadd.s32 $0xFFFFC000  }
0x245: {  	[spmem:s3] =	stream.indirect.scatter.add.f32 [tilespmem:s20], [sflag:$0x3], $0x80, s6, s19, $0xb8;
	[tilespmem:$0x1FB80] =	vst v63  }
0x246: {  	_ = 	snop  }
0x247: {  	[spmem:s4] =	stream.indirect.scatter.add.f32 [tilespmem:s17], [sflag:$0x5], $0x10, s6, s19, $0xb8;
	[tilespmem:$0x1FB80] =	vst v63  }
0x248: {  	_ =	swait.ge [sflag:s23], $0x4000  }
0x249: {  	[sflag:s23] =	ssyncset.done $0x0  }
0x24a: {  	[sflag:s23] =	ssyncadd.s32 $0xFFFFC000  }
0x24b: {  	[spmem:s3] =	stream.indirect.scatter.add.f32 [tilespmem:s21], [sflag:$0x4], $0x80, s7, s19, $0xb8;
	[tilespmem:$0x1FB80] =	vst v63  }
0x24c: {  	_ = 	snop  }
0x24d: {  	[spmem:s4] =	stream.indirect.scatter.add.f32 [tilespmem:s17], [sflag:$0x6], $0x10, s7, s19, $0xb8;
	[tilespmem:$0x1FB80] =	vst v63  }
0x24e: {  	_ =	swait.ge [sflag:s25], $0x4000  }
0x24f: {  	[sflag:s25] =	ssyncset.done $0x0  }
0x250: {  	[sflag:s25] =	ssyncadd.s32 $0xFFFFC000  }
0x251: {  	_ =	swait.ge [sflag:s26], $0x800  }
0x252: {  	[sflag:s26] =	ssyncset.done $0x0  }
0x253: {  	s30 =	rddreg [dreg:$0xd];
	[sflag:s26] =	ssyncadd.s32 $0xFFFFF800  }
0x254: {  	[tilespmem:s20], [sflag:$0x1] =	stream.indirect.gather [hbm4b:s1+s19], $0x80, s30, s19, $0xb8;
	[tilespmem:$0x1FB80] =	vst v63  }
0x255: {  	_ =	swait.ge [sflag:s28], $0x4000  }
0x256: {  	[sflag:s28] =	ssyncset.done $0x0  }
0x257: {  	[sflag:s28] =	ssyncadd.s32 $0xFFFFC000  }
0x258: {  	_ =	swait.ge [sflag:s29], $0x800  }
0x259: {  	[sflag:s29] =	ssyncset.done $0x0  }
0x25a: {  	s24 =	rddreg [dreg:$0xe];
	[sflag:s29] =	ssyncadd.s32 $0xFFFFF800  }
0x25b: {  	[tilespmem:s21], [sflag:$0x2] =	stream.indirect.gather [hbm4b:s1+s19], $0x80, s24, s19, $0xb8;
	[tilespmem:$0x1FB80] =	vst v63  }
0x25c: {  	_ =	swait.ge [sflag:s22], $0x4000  }
0x25d: {  	[sflag:s22] =	ssyncset.done $0x0  }
0x25e: {  	[sflag:s22] =	ssyncadd.s32 $0xFFFFC000  }
0x25f: {  	[spmem:s3] =	stream.indirect.scatter.add.f32 [tilespmem:s20], [sflag:$0x3], $0x80, s8, s19, $0xb8;
	[tilespmem:$0x1FB80] =	vst v63  }
0x260: {  	_ = 	snop  }
0x261: {  	[spmem:s4] =	stream.indirect.scatter.add.f32 [tilespmem:s17], [sflag:$0x5], $0x10, s8, s19, $0xb8;
	[tilespmem:$0x1FB80] =	vst v63  }
0x262: {  	_ =	swait.ge [sflag:s23], $0x4000  }
0x263: {  	[sflag:s23] =	ssyncset.done $0x0  }
0x264: {  	[sflag:s23] =	ssyncadd.s32 $0xFFFFC000  }
0x265: {  	[spmem:s3] =	stream.indirect.scatter.add.f32 [tilespmem:s21], [sflag:$0x4], $0x80, s11, s19, $0xb8;
	[tilespmem:$0x1FB80] =	vst v63  }
0x266: {  	_ = 	snop  }
0x267: {  	[spmem:s4] =	stream.indirect.scatter.add.f32 [tilespmem:s17], [sflag:$0x6], $0x10, s11, s19, $0xb8;
	[tilespmem:$0x1FB80] =	vst v63  }
0x268: {  	_ =	swait.ge [sflag:s25], $0x4000  }
0x269: {  	[sflag:s25] =	ssyncset.done $0x0  }
0x26a: {  	[sflag:s25] =	ssyncadd.s32 $0xFFFFC000  }
0x26b: {  	_ =	swait.ge [sflag:s26], $0x800  }
0x26c: {  	[sflag:s26] =	ssyncset.done $0x0  }
0x26d: {  	s30 =	rddreg [dreg:$0xf];
	[sflag:s26] =	ssyncadd.s32 $0xFFFFF800  }
0x26e: {  	[tilespmem:s20], [sflag:$0x1] =	stream.indirect.gather [hbm4b:s1+s19], $0x80, s30, s19, $0xb8;
	[tilespmem:$0x1FB80] =	vst v63  }
0x26f: {  	_ =	swait.ge [sflag:s28], $0x4000  }
0x270: {  	[sflag:s28] =	ssyncset.done $0x0  }
0x271: {  	[sflag:s28] =	ssyncadd.s32 $0xFFFFC000  }
0x272: {  	_ =	swait.ge [sflag:s29], $0x800  }
0x273: {  	[sflag:s29] =	ssyncset.done $0x0  }
0x274: {  	s24 =	rddreg [dreg:$0x10];
	[sflag:s29] =	ssyncadd.s32 $0xFFFFF800  }
0x275: {  	[tilespmem:s21], [sflag:$0x2] =	stream.indirect.gather [hbm4b:s1+s19], $0x80, s24, s19, $0xb8;
	[tilespmem:$0x1FB80] =	vst v63  }
0x276: {  	_ =	swait.ge [sflag:s22], $0x4000  }
0x277: {  	[sflag:s22] =	ssyncset.done $0x0  }
0x278: {  	[sflag:s22] =	ssyncadd.s32 $0xFFFFC000  }
0x279: {  	[spmem:s3] =	stream.indirect.scatter.add.f32 [tilespmem:s20], [sflag:$0x3], $0x80, s12, s19, $0xb8;
	[tilespmem:$0x1FB80] =	vst v63  }
0x27a: {  	_ = 	snop  }
0x27b: {  	[spmem:s4] =	stream.indirect.scatter.add.f32 [tilespmem:s17], [sflag:$0x5], $0x10, s12, s19, $0xb8;
	[tilespmem:$0x1FB80] =	vst v63  }
0x27c: {  	_ =	swait.ge [sflag:s23], $0x4000  }
0x27d: {  	[sflag:s23] =	ssyncset.done $0x0  }
0x27e: {  	[sflag:s23] =	ssyncadd.s32 $0xFFFFC000  }
0x27f: {  	[spmem:s3] =	stream.indirect.scatter.add.f32 [tilespmem:s21], [sflag:$0x4], $0x80, s13, s19, $0xb8;
	[tilespmem:$0x1FB80] =	vst v63  }
0x280: {  	_ = 	snop  }
0x281: {  	[spmem:s4] =	stream.indirect.scatter.add.f32 [tilespmem:s17], [sflag:$0x6], $0x10, s13, s19, $0xb8;
	[tilespmem:$0x1FB80] =	vst v63  }
0x282: {  	_ =	swait.ge [sflag:s25], $0x4000  }
0x283: {  	[sflag:s25] =	ssyncset.done $0x0  }
0x284: {  	[sflag:s25] =	ssyncadd.s32 $0xFFFFC000  }
0x285: {  	_ =	swait.ge [sflag:s26], $0x800  }
0x286: {  	[sflag:s26] =	ssyncset.done $0x0  }
0x287: {  	s30 =	rddreg [dreg:$0x11];
	[sflag:s26] =	ssyncadd.s32 $0xFFFFF800  }
0x288: {  	[tilespmem:s20], [sflag:$0x1] =	stream.indirect.gather [hbm4b:s1+s19], $0x80, s30, s19, $0xb8;
	[tilespmem:$0x1FB80] =	vst v63  }
0x289: {  	_ =	swait.ge [sflag:s28], $0x4000  }
0x28a: {  	[sflag:s28] =	ssyncset.done $0x0  }
0x28b: {  	[sflag:s28] =	ssyncadd.s32 $0xFFFFC000  }
0x28c: {  	_ =	swait.ge [sflag:s29], $0x800  }
0x28d: {  	[sflag:s29] =	ssyncset.done $0x0  }
0x28e: {  	s24 =	rddreg [dreg:$0x12];
	[sflag:s29] =	ssyncadd.s32 $0xFFFFF800  }
0x28f: {  	[tilespmem:s21], [sflag:$0x2] =	stream.indirect.gather [hbm4b:s1+s19], $0x80, s24, s19, $0xb8;
	[tilespmem:$0x1FB80] =	vst v63  }
0x290: {  	_ =	swait.ge [sflag:s22], $0x4000  }
0x291: {  	[sflag:s22] =	ssyncset.done $0x0  }
0x292: {  	[sflag:s22] =	ssyncadd.s32 $0xFFFFC000  }
0x293: {  	[spmem:s3] =	stream.indirect.scatter.add.f32 [tilespmem:s20], [sflag:$0x3], $0x80, s16, s19, $0xb8;
	[tilespmem:$0x1FB80] =	vst v63  }
0x294: {  	_ = 	snop  }
0x295: {  	[spmem:s4] =	stream.indirect.scatter.add.f32 [tilespmem:s17], [sflag:$0x5], $0x10, s16, s19, $0xb8;
	[tilespmem:$0x1FB80] =	vst v63  }
0x296: {  	_ =	swait.ge [sflag:s23], $0x4000  }
0x297: {  	[sflag:s23] =	ssyncset.done $0x0  }
0x298: {  	[sflag:s23] =	ssyncadd.s32 $0xFFFFC000  }
0x299: {  	[spmem:s3] =	stream.indirect.scatter.add.f32 [tilespmem:s21], [sflag:$0x4], $0x80, s10, s19, $0xb8;
	[tilespmem:$0x1FB80] =	vst v63  }
0x29a: {  	_ = 	snop  }
0x29b: {  	[spmem:s4] =	stream.indirect.scatter.add.f32 [tilespmem:s17], [sflag:$0x6], $0x10, s10, s19, $0xb8;
	[tilespmem:$0x1FB80] =	vst v63  }
0x29c: {  	_ =	swait.ge [sflag:s25], $0x4000  }
0x29d: {  	[sflag:s25] =	ssyncset.done $0x0  }
0x29e: {  	[sflag:s25] =	ssyncadd.s32 $0xFFFFC000  }
0x29f: {  	_ =	swait.ge [sflag:s26], $0x800  }
0x2a0: {  	[sflag:s26] =	ssyncset.done $0x0  }
0x2a1: {  	s30 =	rddreg [dreg:$0x13];
	[sflag:s26] =	ssyncadd.s32 $0xFFFFF800  }
0x2a2: {  	[tilespmem:s20], [sflag:$0x1] =	stream.indirect.gather [hbm4b:s1+s19], $0x80, s30, s19, $0xb8;
	[tilespmem:$0x1FB80] =	vst v63  }
0x2a3: {  	_ =	swait.ge [sflag:s28], $0x4000  }
0x2a4: {  	[sflag:s28] =	ssyncset.done $0x0  }
0x2a5: {  	[sflag:s28] =	ssyncadd.s32 $0xFFFFC000  }
0x2a6: {  	_ =	swait.ge [sflag:s29], $0x800  }
0x2a7: {  	[sflag:s29] =	ssyncset.done $0x0  }
0x2a8: {  	s24 =	rddreg [dreg:$0x14];
	[sflag:s29] =	ssyncadd.s32 $0xFFFFF800  }
0x2a9: {  	[tilespmem:s21], [sflag:$0x2] =	stream.indirect.gather [hbm4b:s1+s19], $0x80, s24, s19, $0xb8;
	[tilespmem:$0x1FB80] =	vst v63  }
0x2aa: {  	_ =	swait.ge [sflag:s22], $0x4000  }
0x2ab: {  	[sflag:s22] =	ssyncset.done $0x0  }
0x2ac: {  	[sflag:s22] =	ssyncadd.s32 $0xFFFFC000  }
0x2ad: {  	[spmem:s3] =	stream.indirect.scatter.add.f32 [tilespmem:s20], [sflag:$0x3], $0x80, s14, s19, $0xb8;
	[tilespmem:$0x1FB80] =	vst v63  }
0x2ae: {  	_ = 	snop  }
0x2af: {  	[spmem:s4] =	stream.indirect.scatter.add.f32 [tilespmem:s17], [sflag:$0x5], $0x10, s14, s19, $0xb8;
	[tilespmem:$0x1FB80] =	vst v63  }
0x2b0: {  	_ =	swait.ge [sflag:s23], $0x4000  }
0x2b1: {  	[sflag:s23] =	ssyncset.done $0x0  }
0x2b2: {  	[sflag:s23] =	ssyncadd.s32 $0xFFFFC000  }
0x2b3: {  	[spmem:s3] =	stream.indirect.scatter.add.f32 [tilespmem:s21], [sflag:$0x4], $0x80, s9, s19, $0xb8;
	[tilespmem:$0x1FB80] =	vst v63  }
0x2b4: {  	_ = 	snop  }
0x2b5: {  	[spmem:s4] =	stream.indirect.scatter.add.f32 [tilespmem:s17], [sflag:$0x6], $0x10, s9, s19, $0xb8;
	[tilespmem:$0x1FB80] =	vst v63  }
0x2b6: {  	_ =	swait.ge [sflag:s25], $0x4000  }
0x2b7: {  	[sflag:s25] =	ssyncset.done $0x0  }
0x2b8: {  	[sflag:s25] =	ssyncadd.s32 $0xFFFFC000  }
0x2b9: {  	_ =	swait.ge [sflag:s26], $0x800  }
0x2ba: {  	[sflag:s26] =	ssyncset.done $0x0  }
0x2bb: {  	[sflag:s26] =	ssyncadd.s32 $0xFFFFF800  }
0x2bc: {  	_ =	swait.ge [sflag:s28], $0x4000  }
0x2bd: {  	[sflag:s28] =	ssyncset.done $0x0  }
0x2be: {  	[sflag:s28] =	ssyncadd.s32 $0xFFFFC000  }
0x2bf: {  	_ =	swait.ge [sflag:s29], $0x800  }
0x2c0: {  	[sflag:s29] =	ssyncset.done $0x0  }
0x2c1: {  	[sflag:s29] =	ssyncadd.s32 $0xFFFFF800  }
0x2c2: {  	[bflag:$0x0] =	sbarrier.arrive $0xFFFF  }
0x2c3: {  	s24 =	rddreg [dreg:$0x18]  }
0x2c4: {  	s30 =	rddreg [dreg:$0x1a]  }
0x2c5: {  	s31 =	rddreg [dreg:$0x1d]  }
0x2c6: {  	[hbm:s30], [sflag:s24] =	dma.local [spmem:s31], $0x2780  }
0x2c7: {  	_ =	swait.ge [sflag:s15], $0x2780  }
0x2c8: {  	[sflag:s15] =	ssyncset.done $0x0;
	s0 =	rddreg [dreg:$0x19]  }
0x2c9: {  	s30 =	rddreg [dreg:$0x1b];
	[sflag:s15] =	ssyncadd.s32 $0xFFFFD880;
	s0 =	sshrl.u32 @!p0 s0, $0x3  }
0x2ca: {  	[hbm:s30], [sflag:s24] =	dma.local @!p0 [spmem:s0], $0x4F0  }
0x2cb: {  	s30 =	simm.s32 @!p0 $0x7  }
0x2cc: {  	_ =	swait.ge @!p0 [sflag:s30], $0x4F0  }
0x2cd: {  	s0 =	rddreg [dreg:$0x1f]  }
0x2ce: {  	[sflag:s30] =	ssyncset.done @!p0 $0x0;
	s30 =	rddreg [dreg:$0x1c];
	s0 =	sadd.s32 $0x1, s0  }
0x2cf: {  	p1 =	sne.s32 s0, s30  }
.Ltmp1:
0x2d0: {  	_ = 	snop;
	(pc) =	sbr.rel @p1 .LBB2_1-.Ltmp1, $3  }
0x2d1: {  	_ =	sdelay $0x1  }
0x2d2: {  	[dreg:$0x1f] =	wrdreg s0;
	s0 =	simm.s32 @!p0 $0x7  }
0x2d3: {  	[sflag:s0] =	ssyncadd.s32 @!p0 $0xFFFFFB10  }
0x2d4: {  	_ =	sfence.sel $0x180000  }
0x2d5: {  	[bflag:$0x0] =	sbarrier.arrive $0xFFFF  }
0x2d6: {  	_ =	strace $0x90000047  }
0x2d7: {  	s0 =	stileid.u32;
	[bflag:$0x2] =	sbarrier.arrive $0xFFFF  }
0x2d8: {  	p0 =	sne.s32 s0, $0x0;
	s0 =	rddreg [dreg:$0x4]  }
0x2d9: {  	s0 =	sadd.s32 @!p0 $0x100000, s0  }
0x2da: {  	[sflag:s0] =	ssyncadd.tile.s32 @!p0 $0x1;
	_ =	shalt  }
.Lfunc_end2:
_tile_overlayer_lowered:
.L_overlay_start_2:
0x2db: {  	(tag) =	ssettag $0x2  }
0x2dc: {  	s0 =	rddreg [dreg:$0x0];
	s2 =	stileid.u32  }
0x2dd: {  	s1 =	rddreg [dreg:$0x1];
	p0 =	sne.s32 s2, $0x0  }
0x2de: {  	s3 =	rddreg [dreg:$0x2];
	[bflag:$0x3] =	sbarrier.arrive $0xFFFF;
	s2 =	simm.s32 @!p0 $0x1C07  }
0x2df: {  	[timem:s3], [sflag:s2] =	dma.local @!p0 [hbm:s0], s1  }
0x2e0: {  	s0 =	simm.s32 @!p0 $0x7  }
0x2e1: {  	_ =	swait.ge @!p0 [sflag:s0], s1  }
0x2e2: {  	s1 =	ssub.s32 @!p0 $0x0, s1;
	[sflag:s0] =	ssyncset.done @!p0 $0x0  }
0x2e3: {  	[sflag:s0] =	ssyncadd.s32 @!p0 s1  }
0x2e4: {  	[bflag:$0x3] =	sbarrier.arrive $0xFFFF  }
0x2e5: {  	_ =	shalt  }

</sc_bundles>
